<compile_context>
chip_gen: v7x
topology: tpu7x:2x2x1
jax: 0.10.2.dev20260603
libtpu: 0.0.44.dev20260713+nightly
codegen_flags: <defaults>
</compile_context>

<pallas_src>
import functools

import jax
import jax.numpy as jnp
from jax import lax
from jax.experimental import pallas as pl
from jax.experimental.pallas import tpu as pltpu
from jax.experimental.pallas import tpu_sc as plsc

BATCH = 4096
SEQ = 50
D = 128

B_TOTAL = BATCH * SEQ
NUM_WORKERS = 32
CHUNK = 128
N_CHUNKS = SEQ
NBUF = 5
assert N_CHUNKS % NBUF == 0


def _make_gather():
    mesh = plsc.VectorSubcoreMesh(core_axis_name="c", subcore_axis_name="s")

    @functools.partial(
        pl.kernel,
        mesh=mesh,
        out_type=jax.ShapeDtypeStruct((B_TOTAL, D), jnp.float32),
        scratch_types=[
            pltpu.VMEM((N_CHUNKS, CHUNK), jnp.int32),
            pltpu.VMEM((NBUF, CHUNK, D), jnp.float32),
        ]
        + [pltpu.SemaphoreType.DMA] * (2 * NBUF),
    )
    def gather_kernel(idx_hbm, table_hbm, out_hbm, idx_v, rows_v, *sems):
        gsem = sems[:NBUF]
        ssem = sems[NBUF:]
        wid = lax.axis_index("s") * 2 + lax.axis_index("c")
        bcol = wid * CHUNK
        pltpu.sync_copy(idx_hbm.at[:, pl.ds(bcol, CHUNK)], idx_v)

        def gather_desc(j, b):
            return pltpu.make_async_copy(
                table_hbm.at[idx_v.at[j]], rows_v.at[b], gsem[b])

        def gather_wait(b):
            pltpu.make_async_copy(
                table_hbm.at[pl.ds(0, CHUNK)], rows_v.at[b], gsem[b]).wait()

        def store_desc(j, b):
            return pltpu.make_async_copy(
                rows_v.at[b], out_hbm.at[pl.ds(j * BATCH + bcol, CHUNK)],
                ssem[b])

        for b in range(NBUF):
            gather_desc(b, b).start()

        def body(g, carry):
            j0 = g * NBUF
            for b in range(NBUF):
                gather_wait(b)
                store_desc(j0 + b, b).start()
            for b in range(NBUF):
                store_desc(j0 + b, b).wait()
                gather_desc(j0 + NBUF + b, b).start()
            return carry

        lax.fori_loop(0, N_CHUNKS // NBUF - 1, body, 0)

        j0 = N_CHUNKS - NBUF
        for b in range(NBUF):
            gather_wait(b)
            store_desc(j0 + b, b).start()
        for b in range(NBUF):
            store_desc(j0 + b, b).wait()

    return gather_kernel


_gather = _make_gather()


def kernel(indices, table):
    out = _gather(indices.T, table)
    return out.reshape(SEQ, BATCH, D).transpose(1, 0, 2)

# --- scband reference (transcript-rebuilt; emitter-appended) ---
"""Pipeline reference for scband-word-embedding-49984829391511 (READ-ONLY COPY).

The authoritative reference and input builder live on the scoring server;
editing this copy changes nothing except your own understanding.
"""

import jax, jax.numpy as jnp
import numpy as np

VOCAB = 100000
N_WORD = 128
BATCH = 4096
SEQ = 50

def setup_inputs(seed: int = 0) -> dict:
    key = jax.random.key(seed)
    k_idx, k_tab = jax.random.split(key)
    indices = jax.random.randint(k_idx, (BATCH, SEQ), 0, VOCAB, dtype=jnp.int32)
    table = jax.random.normal(k_tab, (VOCAB, N_WORD), dtype=jnp.float32)
    return {"indices": indices, "table": table}

def reference(indices, table):
    # Trainable-path WordEmbedding: nn.Embedding(len(w2i), N_word) lookup.
    # Equivalent to self.embedding(indices) in the torch module.
    out = jnp.take(table, indices, axis=0)  # [B, L, N_word]
    return out

if __name__ == "__main__":
    import jax
    _d = setup_inputs()
    print(jax.jit(kernel)(*tuple(_d.values())))

</pallas_src>

<mosaic_0001>
#map = affine_map<(d0, d1) -> (0, 0)>
module attributes {stable_mosaic.version = 14 : i64} {
  func.func @gather_kernel(%arg0: i32, %arg1: i32, %arg2: memref<50x4096xi32, #tpu.memory_space<hbm>>, %arg3: memref<100000x128xf32, #tpu.memory_space<hbm>>, %arg4: memref<204800x128xf32, #tpu.memory_space<hbm>>, %arg5: memref<50x128xi32, #tpu.memory_space<vmem>>, %arg6: memref<5x128x128xf32, #tpu.memory_space<vmem>>, %arg7: memref<!tpu.dma_semaphore, #tpu.memory_space<semaphore_mem>>, %arg8: memref<!tpu.dma_semaphore, #tpu.memory_space<semaphore_mem>>, %arg9: memref<!tpu.dma_semaphore, #tpu.memory_space<semaphore_mem>>, %arg10: memref<!tpu.dma_semaphore, #tpu.memory_space<semaphore_mem>>, %arg11: memref<!tpu.dma_semaphore, #tpu.memory_space<semaphore_mem>>, %arg12: memref<!tpu.dma_semaphore, #tpu.memory_space<semaphore_mem>>, %arg13: memref<!tpu.dma_semaphore, #tpu.memory_space<semaphore_mem>>, %arg14: memref<!tpu.dma_semaphore, #tpu.memory_space<semaphore_mem>>, %arg15: memref<!tpu.dma_semaphore, #tpu.memory_space<semaphore_mem>>, %arg16: memref<!tpu.dma_semaphore, #tpu.memory_space<semaphore_mem>>) attributes {dimension_semantics = [#tpu.dimension_semantics<core_parallel>, #tpu.dimension_semantics<subcore_parallel>], iteration_bounds = array<i64: 2, 16>, scalar_prefetch = 0 : i64, scratch_operands = 12 : i64, tpu.core_type = #tpu.core_type<sc_vector_subcore>, window_params = [{transform_indices = #map}, {transform_indices = #map}, {transform_indices = #map}]} {
    %mul3A = arith.constant 2 : i32
    %mul3A_0 = arith.muli %arg1, %mul3A : i32
    %add3A = arith.addi %mul3A_0, %arg0 : i32
    %mul3A_1 = arith.constant 128 : i32
    %mul3A_2 = arith.muli %add3A, %mul3A_1 : i32
    "tpu.region"() ({
      %run_scoped3A = tpu.sem_alloc : memref<!tpu.dma_semaphore, #tpu.memory_space<semaphore_mem>>
      %dma_start3A_291 = arith.constant 0 : i32
      %dma_start3A_292 = tpu.memref_slice %arg2[%dma_start3A_291, %mul3A_2] : memref<50x4096xi32, #tpu.memory_space<hbm>> -> memref<50x128xi32, #tpu.memory_space<hbm>>
      %dma_start3A_293 = arith.constant 0 : i32
      %dma_start3A_294 = tpu.memref_slice %arg2[%dma_start3A_293, %mul3A_2] : memref<50x4096xi32, #tpu.memory_space<hbm>> -> memref<50x128xi32, #tpu.memory_space<hbm>>
      tpu.enqueue_dma source(%dma_start3A_294 : memref<50x128xi32, #tpu.memory_space<hbm>>) target(%arg5 : memref<50x128xi32, #tpu.memory_space<vmem>>) target_semaphore(%run_scoped3A : memref<!tpu.dma_semaphore, #tpu.memory_space<semaphore_mem>>)
      %dma_wait3A_295 = arith.constant 0 : i32
      %dma_wait3A_296 = tpu.memref_slice %arg2[%dma_wait3A_295, %mul3A_2] : memref<50x4096xi32, #tpu.memory_space<hbm>> -> memref<50x128xi32, #tpu.memory_space<hbm>>
      %dma_wait3A_297 = arith.constant 0 : i32
      %dma_wait3A_298 = tpu.memref_slice %arg2[%dma_wait3A_297, %mul3A_2] : memref<50x4096xi32, #tpu.memory_space<hbm>> -> memref<50x128xi32, #tpu.memory_space<hbm>>
      tpu.wait_dma2 semaphore(%run_scoped3A : memref<!tpu.dma_semaphore, #tpu.memory_space<semaphore_mem>>) src(%dma_wait3A_298 : memref<50x128xi32, #tpu.memory_space<hbm>>) dst(%arg5 : memref<50x128xi32, #tpu.memory_space<vmem>>)
      tpu.yield
    }) : () -> ()
    %dma_start3A = arith.constant 0 : i32
    %dma_start3A_3 = arith.constant 0 : i32
    %dma_start3A_4 = arith.constant 0 : i32
    %dma_start3A_5 = arith.constant 0 : i32
    %dma_start3A_6 = tpu.memref_slice %arg6[%dma_start3A_3, %dma_start3A_4, %dma_start3A_5] : memref<5x128x128xf32, #tpu.memory_space<vmem>> -> memref<1x128x128xf32, #tpu.memory_space<vmem>>
    %dma_start3A_7 = tpu.memref_squeeze %dma_start3A_6 : memref<1x128x128xf32, #tpu.memory_space<vmem>> -> memref<128x128xf32, #tpu.memory_space<vmem>>
    %dma_start3A_8 = arith.constant 0 : i32
    %dma_start3A_9 = tpu.memref_slice %arg5[%dma_start3A, %dma_start3A_8] : memref<50x128xi32, #tpu.memory_space<vmem>> -> memref<1x128xi32, #tpu.memory_space<vmem>>
    %dma_start3A_10 = tpu.memref_squeeze %dma_start3A_9 : memref<1x128xi32, #tpu.memory_space<vmem>> -> memref<128xi32, #tpu.memory_space<vmem>>
    %dma_start3A_11 = arith.constant 0 : i32
    %dma_start3A_12 = arith.constant 0 : i32
    %dma_start3A_13 = tpu.memref_slice %arg3[%dma_start3A_11, %dma_start3A_12] : memref<100000x128xf32, #tpu.memory_space<hbm>> -> memref<100000x128xf32, #tpu.memory_space<hbm>>
    tpu.enqueue_indirect_dma source(%dma_start3A_13 : memref<100000x128xf32, #tpu.memory_space<hbm>>) target(%dma_start3A_7 : memref<128x128xf32, #tpu.memory_space<vmem>>) offsets(%dma_start3A_10 : memref<128xi32, #tpu.memory_space<vmem>>) semaphore(%arg7 : memref<!tpu.dma_semaphore, #tpu.memory_space<semaphore_mem>>)
    %dma_start3A_14 = arith.constant 1 : i32
    %dma_start3A_15 = arith.constant 1 : i32
    %dma_start3A_16 = arith.constant 0 : i32
    %dma_start3A_17 = arith.constant 0 : i32
    %dma_start3A_18 = tpu.memref_slice %arg6[%dma_start3A_15, %dma_start3A_16, %dma_start3A_17] : memref<5x128x128xf32, #tpu.memory_space<vmem>> -> memref<1x128x128xf32, #tpu.memory_space<vmem>>
    %dma_start3A_19 = tpu.memref_squeeze %dma_start3A_18 : memref<1x128x128xf32, #tpu.memory_space<vmem>> -> memref<128x128xf32, #tpu.memory_space<vmem>>
    %dma_start3A_20 = arith.constant 0 : i32
    %dma_start3A_21 = tpu.memref_slice %arg5[%dma_start3A_14, %dma_start3A_20] : memref<50x128xi32, #tpu.memory_space<vmem>> -> memref<1x128xi32, #tpu.memory_space<vmem>>
    %dma_start3A_22 = tpu.memref_squeeze %dma_start3A_21 : memref<1x128xi32, #tpu.memory_space<vmem>> -> memref<128xi32, #tpu.memory_space<vmem>>
    %dma_start3A_23 = arith.constant 0 : i32
    %dma_start3A_24 = arith.constant 0 : i32
    %dma_start3A_25 = tpu.memref_slice %arg3[%dma_start3A_23, %dma_start3A_24] : memref<100000x128xf32, #tpu.memory_space<hbm>> -> memref<100000x128xf32, #tpu.memory_space<hbm>>
    tpu.enqueue_indirect_dma source(%dma_start3A_25 : memref<100000x128xf32, #tpu.memory_space<hbm>>) target(%dma_start3A_19 : memref<128x128xf32, #tpu.memory_space<vmem>>) offsets(%dma_start3A_22 : memref<128xi32, #tpu.memory_space<vmem>>) semaphore(%arg8 : memref<!tpu.dma_semaphore, #tpu.memory_space<semaphore_mem>>)
    %dma_start3A_26 = arith.constant 2 : i32
    %dma_start3A_27 = arith.constant 2 : i32
    %dma_start3A_28 = arith.constant 0 : i32
    %dma_start3A_29 = arith.constant 0 : i32
    %dma_start3A_30 = tpu.memref_slice %arg6[%dma_start3A_27, %dma_start3A_28, %dma_start3A_29] : memref<5x128x128xf32, #tpu.memory_space<vmem>> -> memref<1x128x128xf32, #tpu.memory_space<vmem>>
    %dma_start3A_31 = tpu.memref_squeeze %dma_start3A_30 : memref<1x128x128xf32, #tpu.memory_space<vmem>> -> memref<128x128xf32, #tpu.memory_space<vmem>>
    %dma_start3A_32 = arith.constant 0 : i32
    %dma_start3A_33 = tpu.memref_slice %arg5[%dma_start3A_26, %dma_start3A_32] : memref<50x128xi32, #tpu.memory_space<vmem>> -> memref<1x128xi32, #tpu.memory_space<vmem>>
    %dma_start3A_34 = tpu.memref_squeeze %dma_start3A_33 : memref<1x128xi32, #tpu.memory_space<vmem>> -> memref<128xi32, #tpu.memory_space<vmem>>
    %dma_start3A_35 = arith.constant 0 : i32
    %dma_start3A_36 = arith.constant 0 : i32
    %dma_start3A_37 = tpu.memref_slice %arg3[%dma_start3A_35, %dma_start3A_36] : memref<100000x128xf32, #tpu.memory_space<hbm>> -> memref<100000x128xf32, #tpu.memory_space<hbm>>
    tpu.enqueue_indirect_dma source(%dma_start3A_37 : memref<100000x128xf32, #tpu.memory_space<hbm>>) target(%dma_start3A_31 : memref<128x128xf32, #tpu.memory_space<vmem>>) offsets(%dma_start3A_34 : memref<128xi32, #tpu.memory_space<vmem>>) semaphore(%arg9 : memref<!tpu.dma_semaphore, #tpu.memory_space<semaphore_mem>>)
    %dma_start3A_38 = arith.constant 3 : i32
    %dma_start3A_39 = arith.constant 3 : i32
    %dma_start3A_40 = arith.constant 0 : i32
    %dma_start3A_41 = arith.constant 0 : i32
    %dma_start3A_42 = tpu.memref_slice %arg6[%dma_start3A_39, %dma_start3A_40, %dma_start3A_41] : memref<5x128x128xf32, #tpu.memory_space<vmem>> -> memref<1x128x128xf32, #tpu.memory_space<vmem>>
    %dma_start3A_43 = tpu.memref_squeeze %dma_start3A_42 : memref<1x128x128xf32, #tpu.memory_space<vmem>> -> memref<128x128xf32, #tpu.memory_space<vmem>>
    %dma_start3A_44 = arith.constant 0 : i32
    %dma_start3A_45 = tpu.memref_slice %arg5[%dma_start3A_38, %dma_start3A_44] : memref<50x128xi32, #tpu.memory_space<vmem>> -> memref<1x128xi32, #tpu.memory_space<vmem>>
    %dma_start3A_46 = tpu.memref_squeeze %dma_start3A_45 : memref<1x128xi32, #tpu.memory_space<vmem>> -> memref<128xi32, #tpu.memory_space<vmem>>
    %dma_start3A_47 = arith.constant 0 : i32
    %dma_start3A_48 = arith.constant 0 : i32
    %dma_start3A_49 = tpu.memref_slice %arg3[%dma_start3A_47, %dma_start3A_48] : memref<100000x128xf32, #tpu.memory_space<hbm>> -> memref<100000x128xf32, #tpu.memory_space<hbm>>
    tpu.enqueue_indirect_dma source(%dma_start3A_49 : memref<100000x128xf32, #tpu.memory_space<hbm>>) target(%dma_start3A_43 : memref<128x128xf32, #tpu.memory_space<vmem>>) offsets(%dma_start3A_46 : memref<128xi32, #tpu.memory_space<vmem>>) semaphore(%arg10 : memref<!tpu.dma_semaphore, #tpu.memory_space<semaphore_mem>>)
    %dma_start3A_50 = arith.constant 4 : i32
    %dma_start3A_51 = arith.constant 4 : i32
    %dma_start3A_52 = arith.constant 0 : i32
    %dma_start3A_53 = arith.constant 0 : i32
    %dma_start3A_54 = tpu.memref_slice %arg6[%dma_start3A_51, %dma_start3A_52, %dma_start3A_53] : memref<5x128x128xf32, #tpu.memory_space<vmem>> -> memref<1x128x128xf32, #tpu.memory_space<vmem>>
    %dma_start3A_55 = tpu.memref_squeeze %dma_start3A_54 : memref<1x128x128xf32, #tpu.memory_space<vmem>> -> memref<128x128xf32, #tpu.memory_space<vmem>>
    %dma_start3A_56 = arith.constant 0 : i32
    %dma_start3A_57 = tpu.memref_slice %arg5[%dma_start3A_50, %dma_start3A_56] : memref<50x128xi32, #tpu.memory_space<vmem>> -> memref<1x128xi32, #tpu.memory_space<vmem>>
    %dma_start3A_58 = tpu.memref_squeeze %dma_start3A_57 : memref<1x128xi32, #tpu.memory_space<vmem>> -> memref<128xi32, #tpu.memory_space<vmem>>
    %dma_start3A_59 = arith.constant 0 : i32
    %dma_start3A_60 = arith.constant 0 : i32
    %dma_start3A_61 = tpu.memref_slice %arg3[%dma_start3A_59, %dma_start3A_60] : memref<100000x128xf32, #tpu.memory_space<hbm>> -> memref<100000x128xf32, #tpu.memory_space<hbm>>
    tpu.enqueue_indirect_dma source(%dma_start3A_61 : memref<100000x128xf32, #tpu.memory_space<hbm>>) target(%dma_start3A_55 : memref<128x128xf32, #tpu.memory_space<vmem>>) offsets(%dma_start3A_58 : memref<128xi32, #tpu.memory_space<vmem>>) semaphore(%arg11 : memref<!tpu.dma_semaphore, #tpu.memory_space<semaphore_mem>>)
    %scan3A = arith.constant 0 : i32
    %scan3A_62 = arith.constant 0 : i32
    %scan3A_63 = arith.constant 9 : i32
    %scan3A_64 = arith.addi %scan3A_62, %scan3A_63 : i32
    %scan3A_65 = arith.constant 1 : i32
    scf.for %scan3A_291 = %scan3A_62 to %scan3A_64 step %scan3A_65  : i32 {
      %mul3A_292 = arith.constant 5 : i32
      %mul3A_293 = arith.muli %scan3A_291, %mul3A_292 : i32
      %dma_wait3A_294 = arith.constant 0 : i32
      %dma_wait3A_295 = arith.constant 0 : i32
      %dma_wait3A_296 = arith.constant 0 : i32
      %dma_wait3A_297 = tpu.memref_slice %arg6[%dma_wait3A_294, %dma_wait3A_295, %dma_wait3A_296] : memref<5x128x128xf32, #tpu.memory_space<vmem>> -> memref<1x128x128xf32, #tpu.memory_space<vmem>>
      %dma_wait3A_298 = tpu.memref_squeeze %dma_wait3A_297 : memref<1x128x128xf32, #tpu.memory_space<vmem>> -> memref<128x128xf32, #tpu.memory_space<vmem>>
      %dma_wait3A_299 = arith.constant 0 : i32
      %dma_wait3A_300 = arith.constant 0 : i32
      %dma_wait3A_301 = tpu.memref_slice %arg3[%dma_wait3A_299, %dma_wait3A_300] : memref<100000x128xf32, #tpu.memory_space<hbm>> -> memref<128x128xf32, #tpu.memory_space<hbm>>
      %dma_wait3A_302 = arith.constant 0 : i32
      %dma_wait3A_303 = arith.constant 0 : i32
      %dma_wait3A_304 = tpu.memref_slice %arg6[%dma_wait3A_294, %dma_wait3A_302, %dma_wait3A_303] : memref<5x128x128xf32, #tpu.memory_space<vmem>> -> memref<1x128x128xf32, #tpu.memory_space<vmem>>
      %dma_wait3A_305 = tpu.memref_squeeze %dma_wait3A_304 : memref<1x128x128xf32, #tpu.memory_space<vmem>> -> memref<128x128xf32, #tpu.memory_space<vmem>>
      %dma_wait3A_306 = arith.constant 0 : i32
      %dma_wait3A_307 = arith.constant 0 : i32
      %dma_wait3A_308 = tpu.memref_slice %arg3[%dma_wait3A_306, %dma_wait3A_307] : memref<100000x128xf32, #tpu.memory_space<hbm>> -> memref<128x128xf32, #tpu.memory_space<hbm>>
      tpu.wait_dma2 semaphore(%arg7 : memref<!tpu.dma_semaphore, #tpu.memory_space<semaphore_mem>>) src(%dma_wait3A_308 : memref<128x128xf32, #tpu.memory_space<hbm>>) dst(%dma_wait3A_305 : memref<128x128xf32, #tpu.memory_space<vmem>>)
      %add3A_309 = arith.constant 0 : i32
      %add3A_310 = arith.addi %mul3A_293, %add3A_309 : i32
      %mul3A_311 = arith.constant 4096 : i32
      %mul3A_312 = arith.muli %add3A_310, %mul3A_311 : i32
      %add3A_313 = arith.addi %mul3A_312, %mul3A_2 : i32
      %dma_start3A_314 = arith.constant 0 : i32
      %dma_start3A_315 = arith.constant 0 : i32
      %dma_start3A_316 = arith.constant 0 : i32
      %dma_start3A_317 = tpu.memref_slice %arg6[%dma_start3A_314, %dma_start3A_315, %dma_start3A_316] : memref<5x128x128xf32, #tpu.memory_space<vmem>> -> memref<1x128x128xf32, #tpu.memory_space<vmem>>
      %dma_start3A_318 = tpu.memref_squeeze %dma_start3A_317 : memref<1x128x128xf32, #tpu.memory_space<vmem>> -> memref<128x128xf32, #tpu.memory_space<vmem>>
      %dma_start3A_319 = arith.constant 0 : i32
      %dma_start3A_320 = tpu.memref_slice %arg4[%add3A_313, %dma_start3A_319] : memref<204800x128xf32, #tpu.memory_space<hbm>> -> memref<128x128xf32, #tpu.memory_space<hbm>>
      %dma_start3A_321 = arith.constant 0 : i32
      %dma_start3A_322 = tpu.memref_slice %arg4[%add3A_313, %dma_start3A_321] : memref<204800x128xf32, #tpu.memory_space<hbm>> -> memref<128x128xf32, #tpu.memory_space<hbm>>
      %dma_start3A_323 = arith.constant 0 : i32
      %dma_start3A_324 = arith.constant 0 : i32
      %dma_start3A_325 = tpu.memref_slice %arg6[%dma_start3A_314, %dma_start3A_323, %dma_start3A_324] : memref<5x128x128xf32, #tpu.memory_space<vmem>> -> memref<1x128x128xf32, #tpu.memory_space<vmem>>
      %dma_start3A_326 = tpu.memref_squeeze %dma_start3A_325 : memref<1x128x128xf32, #tpu.memory_space<vmem>> -> memref<128x128xf32, #tpu.memory_space<vmem>>
      tpu.enqueue_dma source(%dma_start3A_326 : memref<128x128xf32, #tpu.memory_space<vmem>>) target(%dma_start3A_322 : memref<128x128xf32, #tpu.memory_space<hbm>>) target_semaphore(%arg12 : memref<!tpu.dma_semaphore, #tpu.memory_space<semaphore_mem>>)
      %dma_wait3A_327 = arith.constant 1 : i32
      %dma_wait3A_328 = arith.constant 0 : i32
      %dma_wait3A_329 = arith.constant 0 : i32
      %dma_wait3A_330 = tpu.memref_slice %arg6[%dma_wait3A_327, %dma_wait3A_328, %dma_wait3A_329] : memref<5x128x128xf32, #tpu.memory_space<vmem>> -> memref<1x128x128xf32, #tpu.memory_space<vmem>>
      %dma_wait3A_331 = tpu.memref_squeeze %dma_wait3A_330 : memref<1x128x128xf32, #tpu.memory_space<vmem>> -> memref<128x128xf32, #tpu.memory_space<vmem>>
      %dma_wait3A_332 = arith.constant 0 : i32
      %dma_wait3A_333 = arith.constant 0 : i32
      %dma_wait3A_334 = tpu.memref_slice %arg3[%dma_wait3A_332, %dma_wait3A_333] : memref<100000x128xf32, #tpu.memory_space<hbm>> -> memref<128x128xf32, #tpu.memory_space<hbm>>
      %dma_wait3A_335 = arith.constant 0 : i32
      %dma_wait3A_336 = arith.constant 0 : i32
      %dma_wait3A_337 = tpu.memref_slice %arg6[%dma_wait3A_327, %dma_wait3A_335, %dma_wait3A_336] : memref<5x128x128xf32, #tpu.memory_space<vmem>> -> memref<1x128x128xf32, #tpu.memory_space<vmem>>
      %dma_wait3A_338 = tpu.memref_squeeze %dma_wait3A_337 : memref<1x128x128xf32, #tpu.memory_space<vmem>> -> memref<128x128xf32, #tpu.memory_space<vmem>>
      %dma_wait3A_339 = arith.constant 0 : i32
      %dma_wait3A_340 = arith.constant 0 : i32
      %dma_wait3A_341 = tpu.memref_slice %arg3[%dma_wait3A_339, %dma_wait3A_340] : memref<100000x128xf32, #tpu.memory_space<hbm>> -> memref<128x128xf32, #tpu.memory_space<hbm>>
      tpu.wait_dma2 semaphore(%arg8 : memref<!tpu.dma_semaphore, #tpu.memory_space<semaphore_mem>>) src(%dma_wait3A_341 : memref<128x128xf32, #tpu.memory_space<hbm>>) dst(%dma_wait3A_338 : memref<128x128xf32, #tpu.memory_space<vmem>>)
      %add3A_342 = arith.constant 1 : i32
      %add3A_343 = arith.addi %mul3A_293, %add3A_342 : i32
      %mul3A_344 = arith.constant 4096 : i32
      %mul3A_345 = arith.muli %add3A_343, %mul3A_344 : i32
      %add3A_346 = arith.addi %mul3A_345, %mul3A_2 : i32
      %dma_start3A_347 = arith.constant 1 : i32
      %dma_start3A_348 = arith.constant 0 : i32
      %dma_start3A_349 = arith.constant 0 : i32
      %dma_start3A_350 = tpu.memref_slice %arg6[%dma_start3A_347, %dma_start3A_348, %dma_start3A_349] : memref<5x128x128xf32, #tpu.memory_space<vmem>> -> memref<1x128x128xf32, #tpu.memory_space<vmem>>
      %dma_start3A_351 = tpu.memref_squeeze %dma_start3A_350 : memref<1x128x128xf32, #tpu.memory_space<vmem>> -> memref<128x128xf32, #tpu.memory_space<vmem>>
      %dma_start3A_352 = arith.constant 0 : i32
      %dma_start3A_353 = tpu.memref_slice %arg4[%add3A_346, %dma_start3A_352] : memref<204800x128xf32, #tpu.memory_space<hbm>> -> memref<128x128xf32, #tpu.memory_space<hbm>>
      %dma_start3A_354 = arith.constant 0 : i32
      %dma_start3A_355 = tpu.memref_slice %arg4[%add3A_346, %dma_start3A_354] : memref<204800x128xf32, #tpu.memory_space<hbm>> -> memref<128x128xf32, #tpu.memory_space<hbm>>
      %dma_start3A_356 = arith.constant 0 : i32
      %dma_start3A_357 = arith.constant 0 : i32
      %dma_start3A_358 = tpu.memref_slice %arg6[%dma_start3A_347, %dma_start3A_356, %dma_start3A_357] : memref<5x128x128xf32, #tpu.memory_space<vmem>> -> memref<1x128x128xf32, #tpu.memory_space<vmem>>
      %dma_start3A_359 = tpu.memref_squeeze %dma_start3A_358 : memref<1x128x128xf32, #tpu.memory_space<vmem>> -> memref<128x128xf32, #tpu.memory_space<vmem>>
      tpu.enqueue_dma source(%dma_start3A_359 : memref<128x128xf32, #tpu.memory_space<vmem>>) target(%dma_start3A_355 : memref<128x128xf32, #tpu.memory_space<hbm>>) target_semaphore(%arg13 : memref<!tpu.dma_semaphore, #tpu.memory_space<semaphore_mem>>)
      %dma_wait3A_360 = arith.constant 2 : i32
      %dma_wait3A_361 = arith.constant 0 : i32
      %dma_wait3A_362 = arith.constant 0 : i32
      %dma_wait3A_363 = tpu.memref_slice %arg6[%dma_wait3A_360, %dma_wait3A_361, %dma_wait3A_362] : memref<5x128x128xf32, #tpu.memory_space<vmem>> -> memref<1x128x128xf32, #tpu.memory_space<vmem>>
      %dma_wait3A_364 = tpu.memref_squeeze %dma_wait3A_363 : memref<1x128x128xf32, #tpu.memory_space<vmem>> -> memref<128x128xf32, #tpu.memory_space<vmem>>
      %dma_wait3A_365 = arith.constant 0 : i32
      %dma_wait3A_366 = arith.constant 0 : i32
      %dma_wait3A_367 = tpu.memref_slice %arg3[%dma_wait3A_365, %dma_wait3A_366] : memref<100000x128xf32, #tpu.memory_space<hbm>> -> memref<128x128xf32, #tpu.memory_space<hbm>>
      %dma_wait3A_368 = arith.constant 0 : i32
      %dma_wait3A_369 = arith.constant 0 : i32
      %dma_wait3A_370 = tpu.memref_slice %arg6[%dma_wait3A_360, %dma_wait3A_368, %dma_wait3A_369] : memref<5x128x128xf32, #tpu.memory_space<vmem>> -> memref<1x128x128xf32, #tpu.memory_space<vmem>>
      %dma_wait3A_371 = tpu.memref_squeeze %dma_wait3A_370 : memref<1x128x128xf32, #tpu.memory_space<vmem>> -> memref<128x128xf32, #tpu.memory_space<vmem>>
      %dma_wait3A_372 = arith.constant 0 : i32
      %dma_wait3A_373 = arith.constant 0 : i32
      %dma_wait3A_374 = tpu.memref_slice %arg3[%dma_wait3A_372, %dma_wait3A_373] : memref<100000x128xf32, #tpu.memory_space<hbm>> -> memref<128x128xf32, #tpu.memory_space<hbm>>
      tpu.wait_dma2 semaphore(%arg9 : memref<!tpu.dma_semaphore, #tpu.memory_space<semaphore_mem>>) src(%dma_wait3A_374 : memref<128x128xf32, #tpu.memory_space<hbm>>) dst(%dma_wait3A_371 : memref<128x128xf32, #tpu.memory_space<vmem>>)
      %add3A_375 = arith.constant 2 : i32
      %add3A_376 = arith.addi %mul3A_293, %add3A_375 : i32
      %mul3A_377 = arith.constant 4096 : i32
      %mul3A_378 = arith.muli %add3A_376, %mul3A_377 : i32
      %add3A_379 = arith.addi %mul3A_378, %mul3A_2 : i32
      %dma_start3A_380 = arith.constant 2 : i32
      %dma_start3A_381 = arith.constant 0 : i32
      %dma_start3A_382 = arith.constant 0 : i32
      %dma_start3A_383 = tpu.memref_slice %arg6[%dma_start3A_380, %dma_start3A_381, %dma_start3A_382] : memref<5x128x128xf32, #tpu.memory_space<vmem>> -> memref<1x128x128xf32, #tpu.memory_space<vmem>>
      %dma_start3A_384 = tpu.memref_squeeze %dma_start3A_383 : memref<1x128x128xf32, #tpu.memory_space<vmem>> -> memref<128x128xf32, #tpu.memory_space<vmem>>
      %dma_start3A_385 = arith.constant 0 : i32
      %dma_start3A_386 = tpu.memref_slice %arg4[%add3A_379, %dma_start3A_385] : memref<204800x128xf32, #tpu.memory_space<hbm>> -> memref<128x128xf32, #tpu.memory_space<hbm>>
      %dma_start3A_387 = arith.constant 0 : i32
      %dma_start3A_388 = tpu.memref_slice %arg4[%add3A_379, %dma_start3A_387] : memref<204800x128xf32, #tpu.memory_space<hbm>> -> memref<128x128xf32, #tpu.memory_space<hbm>>
      %dma_start3A_389 = arith.constant 0 : i32
      %dma_start3A_390 = arith.constant 0 : i32
      %dma_start3A_391 = tpu.memref_slice %arg6[%dma_start3A_380, %dma_start3A_389, %dma_start3A_390] : memref<5x128x128xf32, #tpu.memory_space<vmem>> -> memref<1x128x128xf32, #tpu.memory_space<vmem>>
      %dma_start3A_392 = tpu.memref_squeeze %dma_start3A_391 : memref<1x128x128xf32, #tpu.memory_space<vmem>> -> memref<128x128xf32, #tpu.memory_space<vmem>>
      tpu.enqueue_dma source(%dma_start3A_392 : memref<128x128xf32, #tpu.memory_space<vmem>>) target(%dma_start3A_388 : memref<128x128xf32, #tpu.memory_space<hbm>>) target_semaphore(%arg14 : memref<!tpu.dma_semaphore, #tpu.memory_space<semaphore_mem>>)
      %dma_wait3A_393 = arith.constant 3 : i32
      %dma_wait3A_394 = arith.constant 0 : i32
      %dma_wait3A_395 = arith.constant 0 : i32
      %dma_wait3A_396 = tpu.memref_slice %arg6[%dma_wait3A_393, %dma_wait3A_394, %dma_wait3A_395] : memref<5x128x128xf32, #tpu.memory_space<vmem>> -> memref<1x128x128xf32, #tpu.memory_space<vmem>>
      %dma_wait3A_397 = tpu.memref_squeeze %dma_wait3A_396 : memref<1x128x128xf32, #tpu.memory_space<vmem>> -> memref<128x128xf32, #tpu.memory_space<vmem>>
      %dma_wait3A_398 = arith.constant 0 : i32
      %dma_wait3A_399 = arith.constant 0 : i32
      %dma_wait3A_400 = tpu.memref_slice %arg3[%dma_wait3A_398, %dma_wait3A_399] : memref<100000x128xf32, #tpu.memory_space<hbm>> -> memref<128x128xf32, #tpu.memory_space<hbm>>
      %dma_wait3A_401 = arith.constant 0 : i32
      %dma_wait3A_402 = arith.constant 0 : i32
      %dma_wait3A_403 = tpu.memref_slice %arg6[%dma_wait3A_393, %dma_wait3A_401, %dma_wait3A_402] : memref<5x128x128xf32, #tpu.memory_space<vmem>> -> memref<1x128x128xf32, #tpu.memory_space<vmem>>
      %dma_wait3A_404 = tpu.memref_squeeze %dma_wait3A_403 : memref<1x128x128xf32, #tpu.memory_space<vmem>> -> memref<128x128xf32, #tpu.memory_space<vmem>>
      %dma_wait3A_405 = arith.constant 0 : i32
      %dma_wait3A_406 = arith.constant 0 : i32
      %dma_wait3A_407 = tpu.memref_slice %arg3[%dma_wait3A_405, %dma_wait3A_406] : memref<100000x128xf32, #tpu.memory_space<hbm>> -> memref<128x128xf32, #tpu.memory_space<hbm>>
      tpu.wait_dma2 semaphore(%arg10 : memref<!tpu.dma_semaphore, #tpu.memory_space<semaphore_mem>>) src(%dma_wait3A_407 : memref<128x128xf32, #tpu.memory_space<hbm>>) dst(%dma_wait3A_404 : memref<128x128xf32, #tpu.memory_space<vmem>>)
      %add3A_408 = arith.constant 3 : i32
      %add3A_409 = arith.addi %mul3A_293, %add3A_408 : i32
      %mul3A_410 = arith.constant 4096 : i32
      %mul3A_411 = arith.muli %add3A_409, %mul3A_410 : i32
      %add3A_412 = arith.addi %mul3A_411, %mul3A_2 : i32
      %dma_start3A_413 = arith.constant 3 : i32
      %dma_start3A_414 = arith.constant 0 : i32
      %dma_start3A_415 = arith.constant 0 : i32
      %dma_start3A_416 = tpu.memref_slice %arg6[%dma_start3A_413, %dma_start3A_414, %dma_start3A_415] : memref<5x128x128xf32, #tpu.memory_space<vmem>> -> memref<1x128x128xf32, #tpu.memory_space<vmem>>
      %dma_start3A_417 = tpu.memref_squeeze %dma_start3A_416 : memref<1x128x128xf32, #tpu.memory_space<vmem>> -> memref<128x128xf32, #tpu.memory_space<vmem>>
      %dma_start3A_418 = arith.constant 0 : i32
      %dma_start3A_419 = tpu.memref_slice %arg4[%add3A_412, %dma_start3A_418] : memref<204800x128xf32, #tpu.memory_space<hbm>> -> memref<128x128xf32, #tpu.memory_space<hbm>>
      %dma_start3A_420 = arith.constant 0 : i32
      %dma_start3A_421 = tpu.memref_slice %arg4[%add3A_412, %dma_start3A_420] : memref<204800x128xf32, #tpu.memory_space<hbm>> -> memref<128x128xf32, #tpu.memory_space<hbm>>
      %dma_start3A_422 = arith.constant 0 : i32
      %dma_start3A_423 = arith.constant 0 : i32
      %dma_start3A_424 = tpu.memref_slice %arg6[%dma_start3A_413, %dma_start3A_422, %dma_start3A_423] : memref<5x128x128xf32, #tpu.memory_space<vmem>> -> memref<1x128x128xf32, #tpu.memory_space<vmem>>
      %dma_start3A_425 = tpu.memref_squeeze %dma_start3A_424 : memref<1x128x128xf32, #tpu.memory_space<vmem>> -> memref<128x128xf32, #tpu.memory_space<vmem>>
      tpu.enqueue_dma source(%dma_start3A_425 : memref<128x128xf32, #tpu.memory_space<vmem>>) target(%dma_start3A_421 : memref<128x128xf32, #tpu.memory_space<hbm>>) target_semaphore(%arg15 : memref<!tpu.dma_semaphore, #tpu.memory_space<semaphore_mem>>)
      %dma_wait3A_426 = arith.constant 4 : i32
      %dma_wait3A_427 = arith.constant 0 : i32
      %dma_wait3A_428 = arith.constant 0 : i32
      %dma_wait3A_429 = tpu.memref_slice %arg6[%dma_wait3A_426, %dma_wait3A_427, %dma_wait3A_428] : memref<5x128x128xf32, #tpu.memory_space<vmem>> -> memref<1x128x128xf32, #tpu.memory_space<vmem>>
      %dma_wait3A_430 = tpu.memref_squeeze %dma_wait3A_429 : memref<1x128x128xf32, #tpu.memory_space<vmem>> -> memref<128x128xf32, #tpu.memory_space<vmem>>
      %dma_wait3A_431 = arith.constant 0 : i32
      %dma_wait3A_432 = arith.constant 0 : i32
      %dma_wait3A_433 = tpu.memref_slice %arg3[%dma_wait3A_431, %dma_wait3A_432] : memref<100000x128xf32, #tpu.memory_space<hbm>> -> memref<128x128xf32, #tpu.memory_space<hbm>>
      %dma_wait3A_434 = arith.constant 0 : i32
      %dma_wait3A_435 = arith.constant 0 : i32
      %dma_wait3A_436 = tpu.memref_slice %arg6[%dma_wait3A_426, %dma_wait3A_434, %dma_wait3A_435] : memref<5x128x128xf32, #tpu.memory_space<vmem>> -> memref<1x128x128xf32, #tpu.memory_space<vmem>>
      %dma_wait3A_437 = tpu.memref_squeeze %dma_wait3A_436 : memref<1x128x128xf32, #tpu.memory_space<vmem>> -> memref<128x128xf32, #tpu.memory_space<vmem>>
      %dma_wait3A_438 = arith.constant 0 : i32
      %dma_wait3A_439 = arith.constant 0 : i32
      %dma_wait3A_440 = tpu.memref_slice %arg3[%dma_wait3A_438, %dma_wait3A_439] : memref<100000x128xf32, #tpu.memory_space<hbm>> -> memref<128x128xf32, #tpu.memory_space<hbm>>
      tpu.wait_dma2 semaphore(%arg11 : memref<!tpu.dma_semaphore, #tpu.memory_space<semaphore_mem>>) src(%dma_wait3A_440 : memref<128x128xf32, #tpu.memory_space<hbm>>) dst(%dma_wait3A_437 : memref<128x128xf32, #tpu.memory_space<vmem>>)
      %add3A_441 = arith.constant 4 : i32
      %add3A_442 = arith.addi %mul3A_293, %add3A_441 : i32
      %mul3A_443 = arith.constant 4096 : i32
      %mul3A_444 = arith.muli %add3A_442, %mul3A_443 : i32
      %add3A_445 = arith.addi %mul3A_444, %mul3A_2 : i32
      %dma_start3A_446 = arith.constant 4 : i32
      %dma_start3A_447 = arith.constant 0 : i32
      %dma_start3A_448 = arith.constant 0 : i32
      %dma_start3A_449 = tpu.memref_slice %arg6[%dma_start3A_446, %dma_start3A_447, %dma_start3A_448] : memref<5x128x128xf32, #tpu.memory_space<vmem>> -> memref<1x128x128xf32, #tpu.memory_space<vmem>>
      %dma_start3A_450 = tpu.memref_squeeze %dma_start3A_449 : memref<1x128x128xf32, #tpu.memory_space<vmem>> -> memref<128x128xf32, #tpu.memory_space<vmem>>
      %dma_start3A_451 = arith.constant 0 : i32
      %dma_start3A_452 = tpu.memref_slice %arg4[%add3A_445, %dma_start3A_451] : memref<204800x128xf32, #tpu.memory_space<hbm>> -> memref<128x128xf32, #tpu.memory_space<hbm>>
      %dma_start3A_453 = arith.constant 0 : i32
      %dma_start3A_454 = tpu.memref_slice %arg4[%add3A_445, %dma_start3A_453] : memref<204800x128xf32, #tpu.memory_space<hbm>> -> memref<128x128xf32, #tpu.memory_space<hbm>>
      %dma_start3A_455 = arith.constant 0 : i32
      %dma_start3A_456 = arith.constant 0 : i32
      %dma_start3A_457 = tpu.memref_slice %arg6[%dma_start3A_446, %dma_start3A_455, %dma_start3A_456] : memref<5x128x128xf32, #tpu.memory_space<vmem>> -> memref<1x128x128xf32, #tpu.memory_space<vmem>>
      %dma_start3A_458 = tpu.memref_squeeze %dma_start3A_457 : memref<1x128x128xf32, #tpu.memory_space<vmem>> -> memref<128x128xf32, #tpu.memory_space<vmem>>
      tpu.enqueue_dma source(%dma_start3A_458 : memref<128x128xf32, #tpu.memory_space<vmem>>) target(%dma_start3A_454 : memref<128x128xf32, #tpu.memory_space<hbm>>) target_semaphore(%arg16 : memref<!tpu.dma_semaphore, #tpu.memory_space<semaphore_mem>>)
      %add3A_459 = arith.constant 0 : i32
      %add3A_460 = arith.addi %mul3A_293, %add3A_459 : i32
      %mul3A_461 = arith.constant 4096 : i32
      %mul3A_462 = arith.muli %add3A_460, %mul3A_461 : i32
      %add3A_463 = arith.addi %mul3A_462, %mul3A_2 : i32
      %dma_wait3A_464 = arith.constant 0 : i32
      %dma_wait3A_465 = arith.constant 0 : i32
      %dma_wait3A_466 = arith.constant 0 : i32
      %dma_wait3A_467 = tpu.memref_slice %arg6[%dma_wait3A_464, %dma_wait3A_465, %dma_wait3A_466] : memref<5x128x128xf32, #tpu.memory_space<vmem>> -> memref<1x128x128xf32, #tpu.memory_space<vmem>>
      %dma_wait3A_468 = tpu.memref_squeeze %dma_wait3A_467 : memref<1x128x128xf32, #tpu.memory_space<vmem>> -> memref<128x128xf32, #tpu.memory_space<vmem>>
      %dma_wait3A_469 = arith.constant 0 : i32
      %dma_wait3A_470 = tpu.memref_slice %arg4[%add3A_463, %dma_wait3A_469] : memref<204800x128xf32, #tpu.memory_space<hbm>> -> memref<128x128xf32, #tpu.memory_space<hbm>>
      %dma_wait3A_471 = arith.constant 0 : i32
      %dma_wait3A_472 = tpu.memref_slice %arg4[%add3A_463, %dma_wait3A_471] : memref<204800x128xf32, #tpu.memory_space<hbm>> -> memref<128x128xf32, #tpu.memory_space<hbm>>
      %dma_wait3A_473 = arith.constant 0 : i32
      %dma_wait3A_474 = arith.constant 0 : i32
      %dma_wait3A_475 = tpu.memref_slice %arg6[%dma_wait3A_464, %dma_wait3A_473, %dma_wait3A_474] : memref<5x128x128xf32, #tpu.memory_space<vmem>> -> memref<1x128x128xf32, #tpu.memory_space<vmem>>
      %dma_wait3A_476 = tpu.memref_squeeze %dma_wait3A_475 : memref<1x128x128xf32, #tpu.memory_space<vmem>> -> memref<128x128xf32, #tpu.memory_space<vmem>>
      tpu.wait_dma2 semaphore(%arg12 : memref<!tpu.dma_semaphore, #tpu.memory_space<semaphore_mem>>) src(%dma_wait3A_476 : memref<128x128xf32, #tpu.memory_space<vmem>>) dst(%dma_wait3A_472 : memref<128x128xf32, #tpu.memory_space<hbm>>)
      %add3A_477 = arith.constant 5 : i32
      %add3A_478 = arith.addi %mul3A_293, %add3A_477 : i32
      %add3A_479 = arith.constant 0 : i32
      %add3A_480 = arith.addi %add3A_478, %add3A_479 : i32
      %dma_start3A_481 = arith.constant 0 : i32
      %dma_start3A_482 = arith.constant 0 : i32
      %dma_start3A_483 = arith.constant 0 : i32
      %dma_start3A_484 = tpu.memref_slice %arg6[%dma_start3A_481, %dma_start3A_482, %dma_start3A_483] : memref<5x128x128xf32, #tpu.memory_space<vmem>> -> memref<1x128x128xf32, #tpu.memory_space<vmem>>
      %dma_start3A_485 = tpu.memref_squeeze %dma_start3A_484 : memref<1x128x128xf32, #tpu.memory_space<vmem>> -> memref<128x128xf32, #tpu.memory_space<vmem>>
      %dma_start3A_486 = arith.constant 0 : i32
      %dma_start3A_487 = tpu.memref_slice %arg5[%add3A_480, %dma_start3A_486] : memref<50x128xi32, #tpu.memory_space<vmem>> -> memref<1x128xi32, #tpu.memory_space<vmem>>
      %dma_start3A_488 = tpu.memref_squeeze %dma_start3A_487 : memref<1x128xi32, #tpu.memory_space<vmem>> -> memref<128xi32, #tpu.memory_space<vmem>>
      %dma_start3A_489 = arith.constant 0 : i32
      %dma_start3A_490 = arith.constant 0 : i32
      %dma_start3A_491 = tpu.memref_slice %arg3[%dma_start3A_489, %dma_start3A_490] : memref<100000x128xf32, #tpu.memory_space<hbm>> -> memref<100000x128xf32, #tpu.memory_space<hbm>>
      tpu.enqueue_indirect_dma source(%dma_start3A_491 : memref<100000x128xf32, #tpu.memory_space<hbm>>) target(%dma_start3A_485 : memref<128x128xf32, #tpu.memory_space<vmem>>) offsets(%dma_start3A_488 : memref<128xi32, #tpu.memory_space<vmem>>) semaphore(%arg7 : memref<!tpu.dma_semaphore, #tpu.memory_space<semaphore_mem>>)
      %add3A_492 = arith.constant 1 : i32
      %add3A_493 = arith.addi %mul3A_293, %add3A_492 : i32
      %mul3A_494 = arith.constant 4096 : i32
      %mul3A_495 = arith.muli %add3A_493, %mul3A_494 : i32
      %add3A_496 = arith.addi %mul3A_495, %mul3A_2 : i32
      %dma_wait3A_497 = arith.constant 1 : i32
      %dma_wait3A_498 = arith.constant 0 : i32
      %dma_wait3A_499 = arith.constant 0 : i32
      %dma_wait3A_500 = tpu.memref_slice %arg6[%dma_wait3A_497, %dma_wait3A_498, %dma_wait3A_499] : memref<5x128x128xf32, #tpu.memory_space<vmem>> -> memref<1x128x128xf32, #tpu.memory_space<vmem>>
      %dma_wait3A_501 = tpu.memref_squeeze %dma_wait3A_500 : memref<1x128x128xf32, #tpu.memory_space<vmem>> -> memref<128x128xf32, #tpu.memory_space<vmem>>
      %dma_wait3A_502 = arith.constant 0 : i32
      %dma_wait3A_503 = tpu.memref_slice %arg4[%add3A_496, %dma_wait3A_502] : memref<204800x128xf32, #tpu.memory_space<hbm>> -> memref<128x128xf32, #tpu.memory_space<hbm>>
      %dma_wait3A_504 = arith.constant 0 : i32
      %dma_wait3A_505 = tpu.memref_slice %arg4[%add3A_496, %dma_wait3A_504] : memref<204800x128xf32, #tpu.memory_space<hbm>> -> memref<128x128xf32, #tpu.memory_space<hbm>>
      %dma_wait3A_506 = arith.constant 0 : i32
      %dma_wait3A_507 = arith.constant 0 : i32
      %dma_wait3A_508 = tpu.memref_slice %arg6[%dma_wait3A_497, %dma_wait3A_506, %dma_wait3A_507] : memref<5x128x128xf32, #tpu.memory_space<vmem>> -> memref<1x128x128xf32, #tpu.memory_space<vmem>>
      %dma_wait3A_509 = tpu.memref_squeeze %dma_wait3A_508 : memref<1x128x128xf32, #tpu.memory_space<vmem>> -> memref<128x128xf32, #tpu.memory_space<vmem>>
      tpu.wait_dma2 semaphore(%arg13 : memref<!tpu.dma_semaphore, #tpu.memory_space<semaphore_mem>>) src(%dma_wait3A_509 : memref<128x128xf32, #tpu.memory_space<vmem>>) dst(%dma_wait3A_505 : memref<128x128xf32, #tpu.memory_space<hbm>>)
      %add3A_510 = arith.constant 5 : i32
      %add3A_511 = arith.addi %mul3A_293, %add3A_510 : i32
      %add3A_512 = arith.constant 1 : i32
      %add3A_513 = arith.addi %add3A_511, %add3A_512 : i32
      %dma_start3A_514 = arith.constant 1 : i32
      %dma_start3A_515 = arith.constant 0 : i32
      %dma_start3A_516 = arith.constant 0 : i32
      %dma_start3A_517 = tpu.memref_slice %arg6[%dma_start3A_514, %dma_start3A_515, %dma_start3A_516] : memref<5x128x128xf32, #tpu.memory_space<vmem>> -> memref<1x128x128xf32, #tpu.memory_space<vmem>>
      %dma_start3A_518 = tpu.memref_squeeze %dma_start3A_517 : memref<1x128x128xf32, #tpu.memory_space<vmem>> -> memref<128x128xf32, #tpu.memory_space<vmem>>
      %dma_start3A_519 = arith.constant 0 : i32
      %dma_start3A_520 = tpu.memref_slice %arg5[%add3A_513, %dma_start3A_519] : memref<50x128xi32, #tpu.memory_space<vmem>> -> memref<1x128xi32, #tpu.memory_space<vmem>>
      %dma_start3A_521 = tpu.memref_squeeze %dma_start3A_520 : memref<1x128xi32, #tpu.memory_space<vmem>> -> memref<128xi32, #tpu.memory_space<vmem>>
      %dma_start3A_522 = arith.constant 0 : i32
      %dma_start3A_523 = arith.constant 0 : i32
      %dma_start3A_524 = tpu.memref_slice %arg3[%dma_start3A_522, %dma_start3A_523] : memref<100000x128xf32, #tpu.memory_space<hbm>> -> memref<100000x128xf32, #tpu.memory_space<hbm>>
      tpu.enqueue_indirect_dma source(%dma_start3A_524 : memref<100000x128xf32, #tpu.memory_space<hbm>>) target(%dma_start3A_518 : memref<128x128xf32, #tpu.memory_space<vmem>>) offsets(%dma_start3A_521 : memref<128xi32, #tpu.memory_space<vmem>>) semaphore(%arg8 : memref<!tpu.dma_semaphore, #tpu.memory_space<semaphore_mem>>)
      %add3A_525 = arith.constant 2 : i32
      %add3A_526 = arith.addi %mul3A_293, %add3A_525 : i32
      %mul3A_527 = arith.constant 4096 : i32
      %mul3A_528 = arith.muli %add3A_526, %mul3A_527 : i32
      %add3A_529 = arith.addi %mul3A_528, %mul3A_2 : i32
      %dma_wait3A_530 = arith.constant 2 : i32
      %dma_wait3A_531 = arith.constant 0 : i32
      %dma_wait3A_532 = arith.constant 0 : i32
      %dma_wait3A_533 = tpu.memref_slice %arg6[%dma_wait3A_530, %dma_wait3A_531, %dma_wait3A_532] : memref<5x128x128xf32, #tpu.memory_space<vmem>> -> memref<1x128x128xf32, #tpu.memory_space<vmem>>
      %dma_wait3A_534 = tpu.memref_squeeze %dma_wait3A_533 : memref<1x128x128xf32, #tpu.memory_space<vmem>> -> memref<128x128xf32, #tpu.memory_space<vmem>>
      %dma_wait3A_535 = arith.constant 0 : i32
      %dma_wait3A_536 = tpu.memref_slice %arg4[%add3A_529, %dma_wait3A_535] : memref<204800x128xf32, #tpu.memory_space<hbm>> -> memref<128x128xf32, #tpu.memory_space<hbm>>
      %dma_wait3A_537 = arith.constant 0 : i32
      %dma_wait3A_538 = tpu.memref_slice %arg4[%add3A_529, %dma_wait3A_537] : memref<204800x128xf32, #tpu.memory_space<hbm>> -> memref<128x128xf32, #tpu.memory_space<hbm>>
      %dma_wait3A_539 = arith.constant 0 : i32
      %dma_wait3A_540 = arith.constant 0 : i32
      %dma_wait3A_541 = tpu.memref_slice %arg6[%dma_wait3A_530, %dma_wait3A_539, %dma_wait3A_540] : memref<5x128x128xf32, #tpu.memory_space<vmem>> -> memref<1x128x128xf32, #tpu.memory_space<vmem>>
      %dma_wait3A_542 = tpu.memref_squeeze %dma_wait3A_541 : memref<1x128x128xf32, #tpu.memory_space<vmem>> -> memref<128x128xf32, #tpu.memory_space<vmem>>
      tpu.wait_dma2 semaphore(%arg14 : memref<!tpu.dma_semaphore, #tpu.memory_space<semaphore_mem>>) src(%dma_wait3A_542 : memref<128x128xf32, #tpu.memory_space<vmem>>) dst(%dma_wait3A_538 : memref<128x128xf32, #tpu.memory_space<hbm>>)
      %add3A_543 = arith.constant 5 : i32
      %add3A_544 = arith.addi %mul3A_293, %add3A_543 : i32
      %add3A_545 = arith.constant 2 : i32
      %add3A_546 = arith.addi %add3A_544, %add3A_545 : i32
      %dma_start3A_547 = arith.constant 2 : i32
      %dma_start3A_548 = arith.constant 0 : i32
      %dma_start3A_549 = arith.constant 0 : i32
      %dma_start3A_550 = tpu.memref_slice %arg6[%dma_start3A_547, %dma_start3A_548, %dma_start3A_549] : memref<5x128x128xf32, #tpu.memory_space<vmem>> -> memref<1x128x128xf32, #tpu.memory_space<vmem>>
      %dma_start3A_551 = tpu.memref_squeeze %dma_start3A_550 : memref<1x128x128xf32, #tpu.memory_space<vmem>> -> memref<128x128xf32, #tpu.memory_space<vmem>>
      %dma_start3A_552 = arith.constant 0 : i32
      %dma_start3A_553 = tpu.memref_slice %arg5[%add3A_546, %dma_start3A_552] : memref<50x128xi32, #tpu.memory_space<vmem>> -> memref<1x128xi32, #tpu.memory_space<vmem>>
      %dma_start3A_554 = tpu.memref_squeeze %dma_start3A_553 : memref<1x128xi32, #tpu.memory_space<vmem>> -> memref<128xi32, #tpu.memory_space<vmem>>
      %dma_start3A_555 = arith.constant 0 : i32
      %dma_start3A_556 = arith.constant 0 : i32
      %dma_start3A_557 = tpu.memref_slice %arg3[%dma_start3A_555, %dma_start3A_556] : memref<100000x128xf32, #tpu.memory_space<hbm>> -> memref<100000x128xf32, #tpu.memory_space<hbm>>
      tpu.enqueue_indirect_dma source(%dma_start3A_557 : memref<100000x128xf32, #tpu.memory_space<hbm>>) target(%dma_start3A_551 : memref<128x128xf32, #tpu.memory_space<vmem>>) offsets(%dma_start3A_554 : memref<128xi32, #tpu.memory_space<vmem>>) semaphore(%arg9 : memref<!tpu.dma_semaphore, #tpu.memory_space<semaphore_mem>>)
      %add3A_558 = arith.constant 3 : i32
      %add3A_559 = arith.addi %mul3A_293, %add3A_558 : i32
      %mul3A_560 = arith.constant 4096 : i32
      %mul3A_561 = arith.muli %add3A_559, %mul3A_560 : i32
      %add3A_562 = arith.addi %mul3A_561, %mul3A_2 : i32
      %dma_wait3A_563 = arith.constant 3 : i32
      %dma_wait3A_564 = arith.constant 0 : i32
      %dma_wait3A_565 = arith.constant 0 : i32
      %dma_wait3A_566 = tpu.memref_slice %arg6[%dma_wait3A_563, %dma_wait3A_564, %dma_wait3A_565] : memref<5x128x128xf32, #tpu.memory_space<vmem>> -> memref<1x128x128xf32, #tpu.memory_space<vmem>>
      %dma_wait3A_567 = tpu.memref_squeeze %dma_wait3A_566 : memref<1x128x128xf32, #tpu.memory_space<vmem>> -> memref<128x128xf32, #tpu.memory_space<vmem>>
      %dma_wait3A_568 = arith.constant 0 : i32
      %dma_wait3A_569 = tpu.memref_slice %arg4[%add3A_562, %dma_wait3A_568] : memref<204800x128xf32, #tpu.memory_space<hbm>> -> memref<128x128xf32, #tpu.memory_space<hbm>>
      %dma_wait3A_570 = arith.constant 0 : i32
      %dma_wait3A_571 = tpu.memref_slice %arg4[%add3A_562, %dma_wait3A_570] : memref<204800x128xf32, #tpu.memory_space<hbm>> -> memref<128x128xf32, #tpu.memory_space<hbm>>
      %dma_wait3A_572 = arith.constant 0 : i32
      %dma_wait3A_573 = arith.constant 0 : i32
      %dma_wait3A_574 = tpu.memref_slice %arg6[%dma_wait3A_563, %dma_wait3A_572, %dma_wait3A_573] : memref<5x128x128xf32, #tpu.memory_space<vmem>> -> memref<1x128x128xf32, #tpu.memory_space<vmem>>
      %dma_wait3A_575 = tpu.memref_squeeze %dma_wait3A_574 : memref<1x128x128xf32, #tpu.memory_space<vmem>> -> memref<128x128xf32, #tpu.memory_space<vmem>>
      tpu.wait_dma2 semaphore(%arg15 : memref<!tpu.dma_semaphore, #tpu.memory_space<semaphore_mem>>) src(%dma_wait3A_575 : memref<128x128xf32, #tpu.memory_space<vmem>>) dst(%dma_wait3A_571 : memref<128x128xf32, #tpu.memory_space<hbm>>)
      %add3A_576 = arith.constant 5 : i32
      %add3A_577 = arith.addi %mul3A_293, %add3A_576 : i32
      %add3A_578 = arith.constant 3 : i32
      %add3A_579 = arith.addi %add3A_577, %add3A_578 : i32
      %dma_start3A_580 = arith.constant 3 : i32
      %dma_start3A_581 = arith.constant 0 : i32
      %dma_start3A_582 = arith.constant 0 : i32
      %dma_start3A_583 = tpu.memref_slice %arg6[%dma_start3A_580, %dma_start3A_581, %dma_start3A_582] : memref<5x128x128xf32, #tpu.memory_space<vmem>> -> memref<1x128x128xf32, #tpu.memory_space<vmem>>
      %dma_start3A_584 = tpu.memref_squeeze %dma_start3A_583 : memref<1x128x128xf32, #tpu.memory_space<vmem>> -> memref<128x128xf32, #tpu.memory_space<vmem>>
      %dma_start3A_585 = arith.constant 0 : i32
      %dma_start3A_586 = tpu.memref_slice %arg5[%add3A_579, %dma_start3A_585] : memref<50x128xi32, #tpu.memory_space<vmem>> -> memref<1x128xi32, #tpu.memory_space<vmem>>
      %dma_start3A_587 = tpu.memref_squeeze %dma_start3A_586 : memref<1x128xi32, #tpu.memory_space<vmem>> -> memref<128xi32, #tpu.memory_space<vmem>>
      %dma_start3A_588 = arith.constant 0 : i32
      %dma_start3A_589 = arith.constant 0 : i32
      %dma_start3A_590 = tpu.memref_slice %arg3[%dma_start3A_588, %dma_start3A_589] : memref<100000x128xf32, #tpu.memory_space<hbm>> -> memref<100000x128xf32, #tpu.memory_space<hbm>>
      tpu.enqueue_indirect_dma source(%dma_start3A_590 : memref<100000x128xf32, #tpu.memory_space<hbm>>) target(%dma_start3A_584 : memref<128x128xf32, #tpu.memory_space<vmem>>) offsets(%dma_start3A_587 : memref<128xi32, #tpu.memory_space<vmem>>) semaphore(%arg10 : memref<!tpu.dma_semaphore, #tpu.memory_space<semaphore_mem>>)
      %add3A_591 = arith.constant 4 : i32
      %add3A_592 = arith.addi %mul3A_293, %add3A_591 : i32
      %mul3A_593 = arith.constant 4096 : i32
      %mul3A_594 = arith.muli %add3A_592, %mul3A_593 : i32
      %add3A_595 = arith.addi %mul3A_594, %mul3A_2 : i32
      %dma_wait3A_596 = arith.constant 4 : i32
      %dma_wait3A_597 = arith.constant 0 : i32
      %dma_wait3A_598 = arith.constant 0 : i32
      %dma_wait3A_599 = tpu.memref_slice %arg6[%dma_wait3A_596, %dma_wait3A_597, %dma_wait3A_598] : memref<5x128x128xf32, #tpu.memory_space<vmem>> -> memref<1x128x128xf32, #tpu.memory_space<vmem>>
      %dma_wait3A_600 = tpu.memref_squeeze %dma_wait3A_599 : memref<1x128x128xf32, #tpu.memory_space<vmem>> -> memref<128x128xf32, #tpu.memory_space<vmem>>
      %dma_wait3A_601 = arith.constant 0 : i32
      %dma_wait3A_602 = tpu.memref_slice %arg4[%add3A_595, %dma_wait3A_601] : memref<204800x128xf32, #tpu.memory_space<hbm>> -> memref<128x128xf32, #tpu.memory_space<hbm>>
      %dma_wait3A_603 = arith.constant 0 : i32
      %dma_wait3A_604 = tpu.memref_slice %arg4[%add3A_595, %dma_wait3A_603] : memref<204800x128xf32, #tpu.memory_space<hbm>> -> memref<128x128xf32, #tpu.memory_space<hbm>>
      %dma_wait3A_605 = arith.constant 0 : i32
      %dma_wait3A_606 = arith.constant 0 : i32
      %dma_wait3A_607 = tpu.memref_slice %arg6[%dma_wait3A_596, %dma_wait3A_605, %dma_wait3A_606] : memref<5x128x128xf32, #tpu.memory_space<vmem>> -> memref<1x128x128xf32, #tpu.memory_space<vmem>>
      %dma_wait3A_608 = tpu.memref_squeeze %dma_wait3A_607 : memref<1x128x128xf32, #tpu.memory_space<vmem>> -> memref<128x128xf32, #tpu.memory_space<vmem>>
      tpu.wait_dma2 semaphore(%arg16 : memref<!tpu.dma_semaphore, #tpu.memory_space<semaphore_mem>>) src(%dma_wait3A_608 : memref<128x128xf32, #tpu.memory_space<vmem>>) dst(%dma_wait3A_604 : memref<128x128xf32, #tpu.memory_space<hbm>>)
      %add3A_609 = arith.constant 5 : i32
      %add3A_610 = arith.addi %mul3A_293, %add3A_609 : i32
      %add3A_611 = arith.constant 4 : i32
      %add3A_612 = arith.addi %add3A_610, %add3A_611 : i32
      %dma_start3A_613 = arith.constant 4 : i32
      %dma_start3A_614 = arith.constant 0 : i32
      %dma_start3A_615 = arith.constant 0 : i32
      %dma_start3A_616 = tpu.memref_slice %arg6[%dma_start3A_613, %dma_start3A_614, %dma_start3A_615] : memref<5x128x128xf32, #tpu.memory_space<vmem>> -> memref<1x128x128xf32, #tpu.memory_space<vmem>>
      %dma_start3A_617 = tpu.memref_squeeze %dma_start3A_616 : memref<1x128x128xf32, #tpu.memory_space<vmem>> -> memref<128x128xf32, #tpu.memory_space<vmem>>
      %dma_start3A_618 = arith.constant 0 : i32
      %dma_start3A_619 = tpu.memref_slice %arg5[%add3A_612, %dma_start3A_618] : memref<50x128xi32, #tpu.memory_space<vmem>> -> memref<1x128xi32, #tpu.memory_space<vmem>>
      %dma_start3A_620 = tpu.memref_squeeze %dma_start3A_619 : memref<1x128xi32, #tpu.memory_space<vmem>> -> memref<128xi32, #tpu.memory_space<vmem>>
      %dma_start3A_621 = arith.constant 0 : i32
      %dma_start3A_622 = arith.constant 0 : i32
      %dma_start3A_623 = tpu.memref_slice %arg3[%dma_start3A_621, %dma_start3A_622] : memref<100000x128xf32, #tpu.memory_space<hbm>> -> memref<100000x128xf32, #tpu.memory_space<hbm>>
      tpu.enqueue_indirect_dma source(%dma_start3A_623 : memref<100000x128xf32, #tpu.memory_space<hbm>>) target(%dma_start3A_617 : memref<128x128xf32, #tpu.memory_space<vmem>>) offsets(%dma_start3A_620 : memref<128xi32, #tpu.memory_space<vmem>>) semaphore(%arg11 : memref<!tpu.dma_semaphore, #tpu.memory_space<semaphore_mem>>)
    }
    %scan3A_66 = arith.constant 9 : i32
    %dma_wait3A = arith.constant 0 : i32
    %dma_wait3A_67 = arith.constant 0 : i32
    %dma_wait3A_68 = arith.constant 0 : i32
    %dma_wait3A_69 = tpu.memref_slice %arg6[%dma_wait3A, %dma_wait3A_67, %dma_wait3A_68] : memref<5x128x128xf32, #tpu.memory_space<vmem>> -> memref<1x128x128xf32, #tpu.memory_space<vmem>>
    %dma_wait3A_70 = tpu.memref_squeeze %dma_wait3A_69 : memref<1x128x128xf32, #tpu.memory_space<vmem>> -> memref<128x128xf32, #tpu.memory_space<vmem>>
    %dma_wait3A_71 = arith.constant 0 : i32
    %dma_wait3A_72 = arith.constant 0 : i32
    %dma_wait3A_73 = tpu.memref_slice %arg3[%dma_wait3A_71, %dma_wait3A_72] : memref<100000x128xf32, #tpu.memory_space<hbm>> -> memref<128x128xf32, #tpu.memory_space<hbm>>
    %dma_wait3A_74 = arith.constant 0 : i32
    %dma_wait3A_75 = arith.constant 0 : i32
    %dma_wait3A_76 = tpu.memref_slice %arg6[%dma_wait3A, %dma_wait3A_74, %dma_wait3A_75] : memref<5x128x128xf32, #tpu.memory_space<vmem>> -> memref<1x128x128xf32, #tpu.memory_space<vmem>>
    %dma_wait3A_77 = tpu.memref_squeeze %dma_wait3A_76 : memref<1x128x128xf32, #tpu.memory_space<vmem>> -> memref<128x128xf32, #tpu.memory_space<vmem>>
    %dma_wait3A_78 = arith.constant 0 : i32
    %dma_wait3A_79 = arith.constant 0 : i32
    %dma_wait3A_80 = tpu.memref_slice %arg3[%dma_wait3A_78, %dma_wait3A_79] : memref<100000x128xf32, #tpu.memory_space<hbm>> -> memref<128x128xf32, #tpu.memory_space<hbm>>
    tpu.wait_dma2 semaphore(%arg7 : memref<!tpu.dma_semaphore, #tpu.memory_space<semaphore_mem>>) src(%dma_wait3A_80 : memref<128x128xf32, #tpu.memory_space<hbm>>) dst(%dma_wait3A_77 : memref<128x128xf32, #tpu.memory_space<vmem>>)
    %add3A_81 = arith.constant 184320 : i32
    %add3A_82 = arith.addi %add3A_81, %mul3A_2 : i32
    %dma_start3A_83 = arith.constant 0 : i32
    %dma_start3A_84 = arith.constant 0 : i32
    %dma_start3A_85 = arith.constant 0 : i32
    %dma_start3A_86 = tpu.memref_slice %arg6[%dma_start3A_83, %dma_start3A_84, %dma_start3A_85] : memref<5x128x128xf32, #tpu.memory_space<vmem>> -> memref<1x128x128xf32, #tpu.memory_space<vmem>>
    %dma_start3A_87 = tpu.memref_squeeze %dma_start3A_86 : memref<1x128x128xf32, #tpu.memory_space<vmem>> -> memref<128x128xf32, #tpu.memory_space<vmem>>
    %dma_start3A_88 = arith.constant 0 : i32
    %dma_start3A_89 = tpu.memref_slice %arg4[%add3A_82, %dma_start3A_88] : memref<204800x128xf32, #tpu.memory_space<hbm>> -> memref<128x128xf32, #tpu.memory_space<hbm>>
    %dma_start3A_90 = arith.constant 0 : i32
    %dma_start3A_91 = tpu.memref_slice %arg4[%add3A_82, %dma_start3A_90] : memref<204800x128xf32, #tpu.memory_space<hbm>> -> memref<128x128xf32, #tpu.memory_space<hbm>>
    %dma_start3A_92 = arith.constant 0 : i32
    %dma_start3A_93 = arith.constant 0 : i32
    %dma_start3A_94 = tpu.memref_slice %arg6[%dma_start3A_83, %dma_start3A_92, %dma_start3A_93] : memref<5x128x128xf32, #tpu.memory_space<vmem>> -> memref<1x128x128xf32, #tpu.memory_space<vmem>>
    %dma_start3A_95 = tpu.memref_squeeze %dma_start3A_94 : memref<1x128x128xf32, #tpu.memory_space<vmem>> -> memref<128x128xf32, #tpu.memory_space<vmem>>
    tpu.enqueue_dma source(%dma_start3A_95 : memref<128x128xf32, #tpu.memory_space<vmem>>) target(%dma_start3A_91 : memref<128x128xf32, #tpu.memory_space<hbm>>) target_semaphore(%arg12 : memref<!tpu.dma_semaphore, #tpu.memory_space<semaphore_mem>>)
    %dma_wait3A_96 = arith.constant 1 : i32
    %dma_wait3A_97 = arith.constant 0 : i32
    %dma_wait3A_98 = arith.constant 0 : i32
    %dma_wait3A_99 = tpu.memref_slice %arg6[%dma_wait3A_96, %dma_wait3A_97, %dma_wait3A_98] : memref<5x128x128xf32, #tpu.memory_space<vmem>> -> memref<1x128x128xf32, #tpu.memory_space<vmem>>
    %dma_wait3A_100 = tpu.memref_squeeze %dma_wait3A_99 : memref<1x128x128xf32, #tpu.memory_space<vmem>> -> memref<128x128xf32, #tpu.memory_space<vmem>>
    %dma_wait3A_101 = arith.constant 0 : i32
    %dma_wait3A_102 = arith.constant 0 : i32
    %dma_wait3A_103 = tpu.memref_slice %arg3[%dma_wait3A_101, %dma_wait3A_102] : memref<100000x128xf32, #tpu.memory_space<hbm>> -> memref<128x128xf32, #tpu.memory_space<hbm>>
    %dma_wait3A_104 = arith.constant 0 : i32
    %dma_wait3A_105 = arith.constant 0 : i32
    %dma_wait3A_106 = tpu.memref_slice %arg6[%dma_wait3A_96, %dma_wait3A_104, %dma_wait3A_105] : memref<5x128x128xf32, #tpu.memory_space<vmem>> -> memref<1x128x128xf32, #tpu.memory_space<vmem>>
    %dma_wait3A_107 = tpu.memref_squeeze %dma_wait3A_106 : memref<1x128x128xf32, #tpu.memory_space<vmem>> -> memref<128x128xf32, #tpu.memory_space<vmem>>
    %dma_wait3A_108 = arith.constant 0 : i32
    %dma_wait3A_109 = arith.constant 0 : i32
    %dma_wait3A_110 = tpu.memref_slice %arg3[%dma_wait3A_108, %dma_wait3A_109] : memref<100000x128xf32, #tpu.memory_space<hbm>> -> memref<128x128xf32, #tpu.memory_space<hbm>>
    tpu.wait_dma2 semaphore(%arg8 : memref<!tpu.dma_semaphore, #tpu.memory_space<semaphore_mem>>) src(%dma_wait3A_110 : memref<128x128xf32, #tpu.memory_space<hbm>>) dst(%dma_wait3A_107 : memref<128x128xf32, #tpu.memory_space<vmem>>)
    %add3A_111 = arith.constant 188416 : i32
    %add3A_112 = arith.addi %add3A_111, %mul3A_2 : i32
    %dma_start3A_113 = arith.constant 1 : i32
    %dma_start3A_114 = arith.constant 0 : i32
    %dma_start3A_115 = arith.constant 0 : i32
    %dma_start3A_116 = tpu.memref_slice %arg6[%dma_start3A_113, %dma_start3A_114, %dma_start3A_115] : memref<5x128x128xf32, #tpu.memory_space<vmem>> -> memref<1x128x128xf32, #tpu.memory_space<vmem>>
    %dma_start3A_117 = tpu.memref_squeeze %dma_start3A_116 : memref<1x128x128xf32, #tpu.memory_space<vmem>> -> memref<128x128xf32, #tpu.memory_space<vmem>>
    %dma_start3A_118 = arith.constant 0 : i32
    %dma_start3A_119 = tpu.memref_slice %arg4[%add3A_112, %dma_start3A_118] : memref<204800x128xf32, #tpu.memory_space<hbm>> -> memref<128x128xf32, #tpu.memory_space<hbm>>
    %dma_start3A_120 = arith.constant 0 : i32
    %dma_start3A_121 = tpu.memref_slice %arg4[%add3A_112, %dma_start3A_120] : memref<204800x128xf32, #tpu.memory_space<hbm>> -> memref<128x128xf32, #tpu.memory_space<hbm>>
    %dma_start3A_122 = arith.constant 0 : i32
    %dma_start3A_123 = arith.constant 0 : i32
    %dma_start3A_124 = tpu.memref_slice %arg6[%dma_start3A_113, %dma_start3A_122, %dma_start3A_123] : memref<5x128x128xf32, #tpu.memory_space<vmem>> -> memref<1x128x128xf32, #tpu.memory_space<vmem>>
    %dma_start3A_125 = tpu.memref_squeeze %dma_start3A_124 : memref<1x128x128xf32, #tpu.memory_space<vmem>> -> memref<128x128xf32, #tpu.memory_space<vmem>>
    tpu.enqueue_dma source(%dma_start3A_125 : memref<128x128xf32, #tpu.memory_space<vmem>>) target(%dma_start3A_121 : memref<128x128xf32, #tpu.memory_space<hbm>>) target_semaphore(%arg13 : memref<!tpu.dma_semaphore, #tpu.memory_space<semaphore_mem>>)
    %dma_wait3A_126 = arith.constant 2 : i32
    %dma_wait3A_127 = arith.constant 0 : i32
    %dma_wait3A_128 = arith.constant 0 : i32
    %dma_wait3A_129 = tpu.memref_slice %arg6[%dma_wait3A_126, %dma_wait3A_127, %dma_wait3A_128] : memref<5x128x128xf32, #tpu.memory_space<vmem>> -> memref<1x128x128xf32, #tpu.memory_space<vmem>>
    %dma_wait3A_130 = tpu.memref_squeeze %dma_wait3A_129 : memref<1x128x128xf32, #tpu.memory_space<vmem>> -> memref<128x128xf32, #tpu.memory_space<vmem>>
    %dma_wait3A_131 = arith.constant 0 : i32
    %dma_wait3A_132 = arith.constant 0 : i32
    %dma_wait3A_133 = tpu.memref_slice %arg3[%dma_wait3A_131, %dma_wait3A_132] : memref<100000x128xf32, #tpu.memory_space<hbm>> -> memref<128x128xf32, #tpu.memory_space<hbm>>
    %dma_wait3A_134 = arith.constant 0 : i32
    %dma_wait3A_135 = arith.constant 0 : i32
    %dma_wait3A_136 = tpu.memref_slice %arg6[%dma_wait3A_126, %dma_wait3A_134, %dma_wait3A_135] : memref<5x128x128xf32, #tpu.memory_space<vmem>> -> memref<1x128x128xf32, #tpu.memory_space<vmem>>
    %dma_wait3A_137 = tpu.memref_squeeze %dma_wait3A_136 : memref<1x128x128xf32, #tpu.memory_space<vmem>> -> memref<128x128xf32, #tpu.memory_space<vmem>>
    %dma_wait3A_138 = arith.constant 0 : i32
    %dma_wait3A_139 = arith.constant 0 : i32
    %dma_wait3A_140 = tpu.memref_slice %arg3[%dma_wait3A_138, %dma_wait3A_139] : memref<100000x128xf32, #tpu.memory_space<hbm>> -> memref<128x128xf32, #tpu.memory_space<hbm>>
    tpu.wait_dma2 semaphore(%arg9 : memref<!tpu.dma_semaphore, #tpu.memory_space<semaphore_mem>>) src(%dma_wait3A_140 : memref<128x128xf32, #tpu.memory_space<hbm>>) dst(%dma_wait3A_137 : memref<128x128xf32, #tpu.memory_space<vmem>>)
    %add3A_141 = arith.constant 192512 : i32
    %add3A_142 = arith.addi %add3A_141, %mul3A_2 : i32
    %dma_start3A_143 = arith.constant 2 : i32
    %dma_start3A_144 = arith.constant 0 : i32
    %dma_start3A_145 = arith.constant 0 : i32
    %dma_start3A_146 = tpu.memref_slice %arg6[%dma_start3A_143, %dma_start3A_144, %dma_start3A_145] : memref<5x128x128xf32, #tpu.memory_space<vmem>> -> memref<1x128x128xf32, #tpu.memory_space<vmem>>
    %dma_start3A_147 = tpu.memref_squeeze %dma_start3A_146 : memref<1x128x128xf32, #tpu.memory_space<vmem>> -> memref<128x128xf32, #tpu.memory_space<vmem>>
    %dma_start3A_148 = arith.constant 0 : i32
    %dma_start3A_149 = tpu.memref_slice %arg4[%add3A_142, %dma_start3A_148] : memref<204800x128xf32, #tpu.memory_space<hbm>> -> memref<128x128xf32, #tpu.memory_space<hbm>>
    %dma_start3A_150 = arith.constant 0 : i32
    %dma_start3A_151 = tpu.memref_slice %arg4[%add3A_142, %dma_start3A_150] : memref<204800x128xf32, #tpu.memory_space<hbm>> -> memref<128x128xf32, #tpu.memory_space<hbm>>
    %dma_start3A_152 = arith.constant 0 : i32
    %dma_start3A_153 = arith.constant 0 : i32
    %dma_start3A_154 = tpu.memref_slice %arg6[%dma_start3A_143, %dma_start3A_152, %dma_start3A_153] : memref<5x128x128xf32, #tpu.memory_space<vmem>> -> memref<1x128x128xf32, #tpu.memory_space<vmem>>
    %dma_start3A_155 = tpu.memref_squeeze %dma_start3A_154 : memref<1x128x128xf32, #tpu.memory_space<vmem>> -> memref<128x128xf32, #tpu.memory_space<vmem>>
    tpu.enqueue_dma source(%dma_start3A_155 : memref<128x128xf32, #tpu.memory_space<vmem>>) target(%dma_start3A_151 : memref<128x128xf32, #tpu.memory_space<hbm>>) target_semaphore(%arg14 : memref<!tpu.dma_semaphore, #tpu.memory_space<semaphore_mem>>)
    %dma_wait3A_156 = arith.constant 3 : i32
    %dma_wait3A_157 = arith.constant 0 : i32
    %dma_wait3A_158 = arith.constant 0 : i32
    %dma_wait3A_159 = tpu.memref_slice %arg6[%dma_wait3A_156, %dma_wait3A_157, %dma_wait3A_158] : memref<5x128x128xf32, #tpu.memory_space<vmem>> -> memref<1x128x128xf32, #tpu.memory_space<vmem>>
    %dma_wait3A_160 = tpu.memref_squeeze %dma_wait3A_159 : memref<1x128x128xf32, #tpu.memory_space<vmem>> -> memref<128x128xf32, #tpu.memory_space<vmem>>
    %dma_wait3A_161 = arith.constant 0 : i32
    %dma_wait3A_162 = arith.constant 0 : i32
    %dma_wait3A_163 = tpu.memref_slice %arg3[%dma_wait3A_161, %dma_wait3A_162] : memref<100000x128xf32, #tpu.memory_space<hbm>> -> memref<128x128xf32, #tpu.memory_space<hbm>>
    %dma_wait3A_164 = arith.constant 0 : i32
    %dma_wait3A_165 = arith.constant 0 : i32
    %dma_wait3A_166 = tpu.memref_slice %arg6[%dma_wait3A_156, %dma_wait3A_164, %dma_wait3A_165] : memref<5x128x128xf32, #tpu.memory_space<vmem>> -> memref<1x128x128xf32, #tpu.memory_space<vmem>>
    %dma_wait3A_167 = tpu.memref_squeeze %dma_wait3A_166 : memref<1x128x128xf32, #tpu.memory_space<vmem>> -> memref<128x128xf32, #tpu.memory_space<vmem>>
    %dma_wait3A_168 = arith.constant 0 : i32
    %dma_wait3A_169 = arith.constant 0 : i32
    %dma_wait3A_170 = tpu.memref_slice %arg3[%dma_wait3A_168, %dma_wait3A_169] : memref<100000x128xf32, #tpu.memory_space<hbm>> -> memref<128x128xf32, #tpu.memory_space<hbm>>
    tpu.wait_dma2 semaphore(%arg10 : memref<!tpu.dma_semaphore, #tpu.memory_space<semaphore_mem>>) src(%dma_wait3A_170 : memref<128x128xf32, #tpu.memory_space<hbm>>) dst(%dma_wait3A_167 : memref<128x128xf32, #tpu.memory_space<vmem>>)
    %add3A_171 = arith.constant 196608 : i32
    %add3A_172 = arith.addi %add3A_171, %mul3A_2 : i32
    %dma_start3A_173 = arith.constant 3 : i32
    %dma_start3A_174 = arith.constant 0 : i32
    %dma_start3A_175 = arith.constant 0 : i32
    %dma_start3A_176 = tpu.memref_slice %arg6[%dma_start3A_173, %dma_start3A_174, %dma_start3A_175] : memref<5x128x128xf32, #tpu.memory_space<vmem>> -> memref<1x128x128xf32, #tpu.memory_space<vmem>>
    %dma_start3A_177 = tpu.memref_squeeze %dma_start3A_176 : memref<1x128x128xf32, #tpu.memory_space<vmem>> -> memref<128x128xf32, #tpu.memory_space<vmem>>
    %dma_start3A_178 = arith.constant 0 : i32
    %dma_start3A_179 = tpu.memref_slice %arg4[%add3A_172, %dma_start3A_178] : memref<204800x128xf32, #tpu.memory_space<hbm>> -> memref<128x128xf32, #tpu.memory_space<hbm>>
    %dma_start3A_180 = arith.constant 0 : i32
    %dma_start3A_181 = tpu.memref_slice %arg4[%add3A_172, %dma_start3A_180] : memref<204800x128xf32, #tpu.memory_space<hbm>> -> memref<128x128xf32, #tpu.memory_space<hbm>>
    %dma_start3A_182 = arith.constant 0 : i32
    %dma_start3A_183 = arith.constant 0 : i32
    %dma_start3A_184 = tpu.memref_slice %arg6[%dma_start3A_173, %dma_start3A_182, %dma_start3A_183] : memref<5x128x128xf32, #tpu.memory_space<vmem>> -> memref<1x128x128xf32, #tpu.memory_space<vmem>>
    %dma_start3A_185 = tpu.memref_squeeze %dma_start3A_184 : memref<1x128x128xf32, #tpu.memory_space<vmem>> -> memref<128x128xf32, #tpu.memory_space<vmem>>
    tpu.enqueue_dma source(%dma_start3A_185 : memref<128x128xf32, #tpu.memory_space<vmem>>) target(%dma_start3A_181 : memref<128x128xf32, #tpu.memory_space<hbm>>) target_semaphore(%arg15 : memref<!tpu.dma_semaphore, #tpu.memory_space<semaphore_mem>>)
    %dma_wait3A_186 = arith.constant 4 : i32
    %dma_wait3A_187 = arith.constant 0 : i32
    %dma_wait3A_188 = arith.constant 0 : i32
    %dma_wait3A_189 = tpu.memref_slice %arg6[%dma_wait3A_186, %dma_wait3A_187, %dma_wait3A_188] : memref<5x128x128xf32, #tpu.memory_space<vmem>> -> memref<1x128x128xf32, #tpu.memory_space<vmem>>
    %dma_wait3A_190 = tpu.memref_squeeze %dma_wait3A_189 : memref<1x128x128xf32, #tpu.memory_space<vmem>> -> memref<128x128xf32, #tpu.memory_space<vmem>>
    %dma_wait3A_191 = arith.constant 0 : i32
    %dma_wait3A_192 = arith.constant 0 : i32
    %dma_wait3A_193 = tpu.memref_slice %arg3[%dma_wait3A_191, %dma_wait3A_192] : memref<100000x128xf32, #tpu.memory_space<hbm>> -> memref<128x128xf32, #tpu.memory_space<hbm>>
    %dma_wait3A_194 = arith.constant 0 : i32
    %dma_wait3A_195 = arith.constant 0 : i32
    %dma_wait3A_196 = tpu.memref_slice %arg6[%dma_wait3A_186, %dma_wait3A_194, %dma_wait3A_195] : memref<5x128x128xf32, #tpu.memory_space<vmem>> -> memref<1x128x128xf32, #tpu.memory_space<vmem>>
    %dma_wait3A_197 = tpu.memref_squeeze %dma_wait3A_196 : memref<1x128x128xf32, #tpu.memory_space<vmem>> -> memref<128x128xf32, #tpu.memory_space<vmem>>
    %dma_wait3A_198 = arith.constant 0 : i32
    %dma_wait3A_199 = arith.constant 0 : i32
    %dma_wait3A_200 = tpu.memref_slice %arg3[%dma_wait3A_198, %dma_wait3A_199] : memref<100000x128xf32, #tpu.memory_space<hbm>> -> memref<128x128xf32, #tpu.memory_space<hbm>>
    tpu.wait_dma2 semaphore(%arg11 : memref<!tpu.dma_semaphore, #tpu.memory_space<semaphore_mem>>) src(%dma_wait3A_200 : memref<128x128xf32, #tpu.memory_space<hbm>>) dst(%dma_wait3A_197 : memref<128x128xf32, #tpu.memory_space<vmem>>)
    %add3A_201 = arith.constant 200704 : i32
    %add3A_202 = arith.addi %add3A_201, %mul3A_2 : i32
    %dma_start3A_203 = arith.constant 4 : i32
    %dma_start3A_204 = arith.constant 0 : i32
    %dma_start3A_205 = arith.constant 0 : i32
    %dma_start3A_206 = tpu.memref_slice %arg6[%dma_start3A_203, %dma_start3A_204, %dma_start3A_205] : memref<5x128x128xf32, #tpu.memory_space<vmem>> -> memref<1x128x128xf32, #tpu.memory_space<vmem>>
    %dma_start3A_207 = tpu.memref_squeeze %dma_start3A_206 : memref<1x128x128xf32, #tpu.memory_space<vmem>> -> memref<128x128xf32, #tpu.memory_space<vmem>>
    %dma_start3A_208 = arith.constant 0 : i32
    %dma_start3A_209 = tpu.memref_slice %arg4[%add3A_202, %dma_start3A_208] : memref<204800x128xf32, #tpu.memory_space<hbm>> -> memref<128x128xf32, #tpu.memory_space<hbm>>
    %dma_start3A_210 = arith.constant 0 : i32
    %dma_start3A_211 = tpu.memref_slice %arg4[%add3A_202, %dma_start3A_210] : memref<204800x128xf32, #tpu.memory_space<hbm>> -> memref<128x128xf32, #tpu.memory_space<hbm>>
    %dma_start3A_212 = arith.constant 0 : i32
    %dma_start3A_213 = arith.constant 0 : i32
    %dma_start3A_214 = tpu.memref_slice %arg6[%dma_start3A_203, %dma_start3A_212, %dma_start3A_213] : memref<5x128x128xf32, #tpu.memory_space<vmem>> -> memref<1x128x128xf32, #tpu.memory_space<vmem>>
    %dma_start3A_215 = tpu.memref_squeeze %dma_start3A_214 : memref<1x128x128xf32, #tpu.memory_space<vmem>> -> memref<128x128xf32, #tpu.memory_space<vmem>>
    tpu.enqueue_dma source(%dma_start3A_215 : memref<128x128xf32, #tpu.memory_space<vmem>>) target(%dma_start3A_211 : memref<128x128xf32, #tpu.memory_space<hbm>>) target_semaphore(%arg16 : memref<!tpu.dma_semaphore, #tpu.memory_space<semaphore_mem>>)
    %add3A_216 = arith.constant 184320 : i32
    %add3A_217 = arith.addi %add3A_216, %mul3A_2 : i32
    %dma_wait3A_218 = arith.constant 0 : i32
    %dma_wait3A_219 = arith.constant 0 : i32
    %dma_wait3A_220 = arith.constant 0 : i32
    %dma_wait3A_221 = tpu.memref_slice %arg6[%dma_wait3A_218, %dma_wait3A_219, %dma_wait3A_220] : memref<5x128x128xf32, #tpu.memory_space<vmem>> -> memref<1x128x128xf32, #tpu.memory_space<vmem>>
    %dma_wait3A_222 = tpu.memref_squeeze %dma_wait3A_221 : memref<1x128x128xf32, #tpu.memory_space<vmem>> -> memref<128x128xf32, #tpu.memory_space<vmem>>
    %dma_wait3A_223 = arith.constant 0 : i32
    %dma_wait3A_224 = tpu.memref_slice %arg4[%add3A_217, %dma_wait3A_223] : memref<204800x128xf32, #tpu.memory_space<hbm>> -> memref<128x128xf32, #tpu.memory_space<hbm>>
    %dma_wait3A_225 = arith.constant 0 : i32
    %dma_wait3A_226 = tpu.memref_slice %arg4[%add3A_217, %dma_wait3A_225] : memref<204800x128xf32, #tpu.memory_space<hbm>> -> memref<128x128xf32, #tpu.memory_space<hbm>>
    %dma_wait3A_227 = arith.constant 0 : i32
    %dma_wait3A_228 = arith.constant 0 : i32
    %dma_wait3A_229 = tpu.memref_slice %arg6[%dma_wait3A_218, %dma_wait3A_227, %dma_wait3A_228] : memref<5x128x128xf32, #tpu.memory_space<vmem>> -> memref<1x128x128xf32, #tpu.memory_space<vmem>>
    %dma_wait3A_230 = tpu.memref_squeeze %dma_wait3A_229 : memref<1x128x128xf32, #tpu.memory_space<vmem>> -> memref<128x128xf32, #tpu.memory_space<vmem>>
    tpu.wait_dma2 semaphore(%arg12 : memref<!tpu.dma_semaphore, #tpu.memory_space<semaphore_mem>>) src(%dma_wait3A_230 : memref<128x128xf32, #tpu.memory_space<vmem>>) dst(%dma_wait3A_226 : memref<128x128xf32, #tpu.memory_space<hbm>>)
    %add3A_231 = arith.constant 188416 : i32
    %add3A_232 = arith.addi %add3A_231, %mul3A_2 : i32
    %dma_wait3A_233 = arith.constant 1 : i32
    %dma_wait3A_234 = arith.constant 0 : i32
    %dma_wait3A_235 = arith.constant 0 : i32
    %dma_wait3A_236 = tpu.memref_slice %arg6[%dma_wait3A_233, %dma_wait3A_234, %dma_wait3A_235] : memref<5x128x128xf32, #tpu.memory_space<vmem>> -> memref<1x128x128xf32, #tpu.memory_space<vmem>>
    %dma_wait3A_237 = tpu.memref_squeeze %dma_wait3A_236 : memref<1x128x128xf32, #tpu.memory_space<vmem>> -> memref<128x128xf32, #tpu.memory_space<vmem>>
    %dma_wait3A_238 = arith.constant 0 : i32
    %dma_wait3A_239 = tpu.memref_slice %arg4[%add3A_232, %dma_wait3A_238] : memref<204800x128xf32, #tpu.memory_space<hbm>> -> memref<128x128xf32, #tpu.memory_space<hbm>>
    %dma_wait3A_240 = arith.constant 0 : i32
    %dma_wait3A_241 = tpu.memref_slice %arg4[%add3A_232, %dma_wait3A_240] : memref<204800x128xf32, #tpu.memory_space<hbm>> -> memref<128x128xf32, #tpu.memory_space<hbm>>
    %dma_wait3A_242 = arith.constant 0 : i32
    %dma_wait3A_243 = arith.constant 0 : i32
    %dma_wait3A_244 = tpu.memref_slice %arg6[%dma_wait3A_233, %dma_wait3A_242, %dma_wait3A_243] : memref<5x128x128xf32, #tpu.memory_space<vmem>> -> memref<1x128x128xf32, #tpu.memory_space<vmem>>
    %dma_wait3A_245 = tpu.memref_squeeze %dma_wait3A_244 : memref<1x128x128xf32, #tpu.memory_space<vmem>> -> memref<128x128xf32, #tpu.memory_space<vmem>>
    tpu.wait_dma2 semaphore(%arg13 : memref<!tpu.dma_semaphore, #tpu.memory_space<semaphore_mem>>) src(%dma_wait3A_245 : memref<128x128xf32, #tpu.memory_space<vmem>>) dst(%dma_wait3A_241 : memref<128x128xf32, #tpu.memory_space<hbm>>)
    %add3A_246 = arith.constant 192512 : i32
    %add3A_247 = arith.addi %add3A_246, %mul3A_2 : i32
    %dma_wait3A_248 = arith.constant 2 : i32
    %dma_wait3A_249 = arith.constant 0 : i32
    %dma_wait3A_250 = arith.constant 0 : i32
    %dma_wait3A_251 = tpu.memref_slice %arg6[%dma_wait3A_248, %dma_wait3A_249, %dma_wait3A_250] : memref<5x128x128xf32, #tpu.memory_space<vmem>> -> memref<1x128x128xf32, #tpu.memory_space<vmem>>
    %dma_wait3A_252 = tpu.memref_squeeze %dma_wait3A_251 : memref<1x128x128xf32, #tpu.memory_space<vmem>> -> memref<128x128xf32, #tpu.memory_space<vmem>>
    %dma_wait3A_253 = arith.constant 0 : i32
    %dma_wait3A_254 = tpu.memref_slice %arg4[%add3A_247, %dma_wait3A_253] : memref<204800x128xf32, #tpu.memory_space<hbm>> -> memref<128x128xf32, #tpu.memory_space<hbm>>
    %dma_wait3A_255 = arith.constant 0 : i32
    %dma_wait3A_256 = tpu.memref_slice %arg4[%add3A_247, %dma_wait3A_255] : memref<204800x128xf32, #tpu.memory_space<hbm>> -> memref<128x128xf32, #tpu.memory_space<hbm>>
    %dma_wait3A_257 = arith.constant 0 : i32
    %dma_wait3A_258 = arith.constant 0 : i32
    %dma_wait3A_259 = tpu.memref_slice %arg6[%dma_wait3A_248, %dma_wait3A_257, %dma_wait3A_258] : memref<5x128x128xf32, #tpu.memory_space<vmem>> -> memref<1x128x128xf32, #tpu.memory_space<vmem>>
    %dma_wait3A_260 = tpu.memref_squeeze %dma_wait3A_259 : memref<1x128x128xf32, #tpu.memory_space<vmem>> -> memref<128x128xf32, #tpu.memory_space<vmem>>
    tpu.wait_dma2 semaphore(%arg14 : memref<!tpu.dma_semaphore, #tpu.memory_space<semaphore_mem>>) src(%dma_wait3A_260 : memref<128x128xf32, #tpu.memory_space<vmem>>) dst(%dma_wait3A_256 : memref<128x128xf32, #tpu.memory_space<hbm>>)
    %add3A_261 = arith.constant 196608 : i32
    %add3A_262 = arith.addi %add3A_261, %mul3A_2 : i32
    %dma_wait3A_263 = arith.constant 3 : i32
    %dma_wait3A_264 = arith.constant 0 : i32
    %dma_wait3A_265 = arith.constant 0 : i32
    %dma_wait3A_266 = tpu.memref_slice %arg6[%dma_wait3A_263, %dma_wait3A_264, %dma_wait3A_265] : memref<5x128x128xf32, #tpu.memory_space<vmem>> -> memref<1x128x128xf32, #tpu.memory_space<vmem>>
    %dma_wait3A_267 = tpu.memref_squeeze %dma_wait3A_266 : memref<1x128x128xf32, #tpu.memory_space<vmem>> -> memref<128x128xf32, #tpu.memory_space<vmem>>
    %dma_wait3A_268 = arith.constant 0 : i32
    %dma_wait3A_269 = tpu.memref_slice %arg4[%add3A_262, %dma_wait3A_268] : memref<204800x128xf32, #tpu.memory_space<hbm>> -> memref<128x128xf32, #tpu.memory_space<hbm>>
    %dma_wait3A_270 = arith.constant 0 : i32
    %dma_wait3A_271 = tpu.memref_slice %arg4[%add3A_262, %dma_wait3A_270] : memref<204800x128xf32, #tpu.memory_space<hbm>> -> memref<128x128xf32, #tpu.memory_space<hbm>>
    %dma_wait3A_272 = arith.constant 0 : i32
    %dma_wait3A_273 = arith.constant 0 : i32
    %dma_wait3A_274 = tpu.memref_slice %arg6[%dma_wait3A_263, %dma_wait3A_272, %dma_wait3A_273] : memref<5x128x128xf32, #tpu.memory_space<vmem>> -> memref<1x128x128xf32, #tpu.memory_space<vmem>>
    %dma_wait3A_275 = tpu.memref_squeeze %dma_wait3A_274 : memref<1x128x128xf32, #tpu.memory_space<vmem>> -> memref<128x128xf32, #tpu.memory_space<vmem>>
    tpu.wait_dma2 semaphore(%arg15 : memref<!tpu.dma_semaphore, #tpu.memory_space<semaphore_mem>>) src(%dma_wait3A_275 : memref<128x128xf32, #tpu.memory_space<vmem>>) dst(%dma_wait3A_271 : memref<128x128xf32, #tpu.memory_space<hbm>>)
    %add3A_276 = arith.constant 200704 : i32
    %add3A_277 = arith.addi %add3A_276, %mul3A_2 : i32
    %dma_wait3A_278 = arith.constant 4 : i32
    %dma_wait3A_279 = arith.constant 0 : i32
    %dma_wait3A_280 = arith.constant 0 : i32
    %dma_wait3A_281 = tpu.memref_slice %arg6[%dma_wait3A_278, %dma_wait3A_279, %dma_wait3A_280] : memref<5x128x128xf32, #tpu.memory_space<vmem>> -> memref<1x128x128xf32, #tpu.memory_space<vmem>>
    %dma_wait3A_282 = tpu.memref_squeeze %dma_wait3A_281 : memref<1x128x128xf32, #tpu.memory_space<vmem>> -> memref<128x128xf32, #tpu.memory_space<vmem>>
    %dma_wait3A_283 = arith.constant 0 : i32
    %dma_wait3A_284 = tpu.memref_slice %arg4[%add3A_277, %dma_wait3A_283] : memref<204800x128xf32, #tpu.memory_space<hbm>> -> memref<128x128xf32, #tpu.memory_space<hbm>>
    %dma_wait3A_285 = arith.constant 0 : i32
    %dma_wait3A_286 = tpu.memref_slice %arg4[%add3A_277, %dma_wait3A_285] : memref<204800x128xf32, #tpu.memory_space<hbm>> -> memref<128x128xf32, #tpu.memory_space<hbm>>
    %dma_wait3A_287 = arith.constant 0 : i32
    %dma_wait3A_288 = arith.constant 0 : i32
    %dma_wait3A_289 = tpu.memref_slice %arg6[%dma_wait3A_278, %dma_wait3A_287, %dma_wait3A_288] : memref<5x128x128xf32, #tpu.memory_space<vmem>> -> memref<1x128x128xf32, #tpu.memory_space<vmem>>
    %dma_wait3A_290 = tpu.memref_squeeze %dma_wait3A_289 : memref<1x128x128xf32, #tpu.memory_space<vmem>> -> memref<128x128xf32, #tpu.memory_space<vmem>>
    tpu.wait_dma2 semaphore(%arg16 : memref<!tpu.dma_semaphore, #tpu.memory_space<semaphore_mem>>) src(%dma_wait3A_290 : memref<128x128xf32, #tpu.memory_space<vmem>>) dst(%dma_wait3A_286 : memref<128x128xf32, #tpu.memory_space<hbm>>)
    return
  }
}

</mosaic_0001>

<sc_bundles>
// kernel: kernel.3.cloned.1.call-start
scs
__scs_entry_jumppad:
0x0: {  	(pc) =	sbr.rel $0x88, $3  }
0x1: {  	(tag) =	ssettag $0x0;
	lr =	simm.s32 $0x1  }
0x2: {  	[smem:$0x3F9F] =	sst lr;
	_ =	strace $0xD0000000  }
0x3: {  	_ = 	snop  }
0x4: {  	_ = 	snop  }
0x5: {  	_ = 	snop  }
0x6: {  	_ = 	snop  }
0x7: {  	_ = 	snop  }
__scs_overlays_trampoline_lowered:
0x8: {  	[smem:$0x3FAE] =	sst s0  }
0x9: {  	[smem:$0x3FAF] =	sst s1  }
0xa: {  	[smem:$0x3FB0] =	sst s2  }
0xb: {  	[smem:$0x3FB1] =	sst s3  }
0xc: {  	[smem:$0x3FB2] =	sst s4  }
0xd: {  	[smem:$0x3FB3] =	sst s5  }
0xe: {  	[smem:$0x3FB4] =	sst s6  }
0xf: {  	[smem:$0x3FB5] =	sst s7  }
0x10: {  	[smem:$0x3FB6] =	sst s8  }
0x11: {  	[smem:$0x3FB7] =	sst s9;
	s0 =	simm.s32 @!p0 $0x0  }
0x12: {  	s1 =	sld [smem:$0x3F9D];
	s0 =	simm.s32 @p0 $0x1  }
0x13: {  	[smem:$0x3FB8] =	sst s0;
	s0 =	simm.s32 @!p1 $0x0  }
0x14: {  	s2 =	sld [smem:$0x3F9C];
	s0 =	simm.s32 @p1 $0x1  }
0x15: {  	[smem:$0x3FB9] =	sst s0;
	s0 =	simm.s32 @!p2 $0x0  }
0x16: {  	s3 =	sld [smem:$0x3FDB];
	s0 =	simm.s32 @p2 $0x1  }
0x17: {  	s4 =	simm.s32 $0x1BF5;
	[smem:$0x3FBB] =	sst s0  }
0x18: {  	s0 =	sld [smem:$0x3F9E];
	_ =	swait.ge [sflag:s4], $0x0  }
0x19: {  	s7 =	sld [smem:$0x3F9F]  }
0x1a: {  	s8 =	sadd.s32 $0xFFFFE003, lr  }
0x1b: {  	s9 =	sadd.s32 $0xFFFFFEF7, lr;
	s5 =	simm.s32 $0xFFFFFFFF;
	p2 =	slt.u32 s8, $0xFFFFF086  }
0x1c: {  	p1 =	slt.u32 s9, $0xF7A;
	s5 =	simm.s32 @!p2 $0x0  }
0x1d: {  	s5 =	simm.s32 @p1 $0x1;
	p0 =	seq.s32 s7, s2  }
0x1e: {  	s7 =	smul.u32 @!p0 $0xF7A, s2;
	p2 =	seq.s32 @!p0 s5, $0x0  }
0x1f: {  	s9 =	smul.u32 $0xF7A, s1;
	s8 =	simm.s32 @!p0 $0x1BF5;
	p2 =	por !p2, p0  }
0x20: {  	[sflag:s8] =	ssyncset.s32 @!p0 $0xFFFFF086;
	s6 =	sadd.s32 @!p0 s3, s7;
	s7 =	simm.s32 @!p0 $0x108  }
0x21: {  	s3 =	sadd.s32 s3, s9;
	s6 =	sadd.s32 @!p0 $0x88, s6;
	s7 =	simm.s32 @p2 $0x1082  }
0x22: {  	[simem:s7], [sflag:s8] =	dma.local @!p0 [hbm:s6], $0xF7A  }
0x23: {  	s9 =	sor.u32 $0xD0000000, s2;
	s6 =	simm.s32 $0x108;
	_ =	swait.ge @!p0 [sflag:s8], $0x0  }
0x24: {  	s3 =	sadd.s32 $0x88, s3;
	s6 =	simm.s32 @!p1 $0x1082;
	[sflag:s4] =	ssyncset.s32 $0xFFFFF086  }
0x25: {  	[simem:s6], [sflag:s4] =	dma.local [hbm:s3], $0xF7A  }
0x26: {  	[smem:$0x3F9F] =	sst s1;
	(tag) =	ssettag s2;
	_ =	strace s9  }
0x27: {  	s1 =	sld [smem:$0x3FAF]  }
0x28: {  	s2 =	sld [smem:$0x3FB0]  }
0x29: {  	s4 =	sld [smem:$0x3FB2]  }
0x2a: {  	p0 =	seq.s32 s5, $0x0;
	s5 =	sld [smem:$0x3FB3]  }
0x2b: {  	s6 =	sld [smem:$0x3FB4]  }
0x2c: {  	s7 =	sld [smem:$0x3FB5]  }
0x2d: {  	s3 =	simm.s32 $0x108;
	s8 =	sld [smem:$0x3FB6]  }
0x2e: {  	s3 =	simm.s32 @!p0 $0x1082;
	s9 =	sld [smem:$0x3FB7]  }
0x2f: {  	lr =	sadd.s32 s0, s3;
	s0 =	sld [smem:$0x3FAE]  }
0x30: {  	s3 =	sld [smem:$0x3FB1]  }
0x31: {  	[smem:$0x3FBA] =	sst s10  }
0x32: {  	s10 =	sld [smem:$0x3FB8];
	_ =	sdelay $0x3  }
0x33: {  	p0 =	seq.s32 s10, $0x1;
	s10 =	sld [smem:$0x3FBA];
	_ =	sdelay $0x3  }
0x34: {  	[smem:$0x3FBA] =	sst s10  }
0x35: {  	s10 =	sld [smem:$0x3FB9];
	_ =	sdelay $0x3  }
0x36: {  	p1 =	seq.s32 s10, $0x1;
	s10 =	sld [smem:$0x3FBA];
	_ =	sdelay $0x3  }
0x37: {  	[smem:$0x3FBA] =	sst s10  }
0x38: {  	s10 =	sld [smem:$0x3FBB]  }
0x39: {  	_ = 	snop;
	(pc) =	sbr.ind lr, $3  }
0x3a: {  	_ = 	snop  }
0x3b: {  	_ = 	snop  }
0x3c: {  	p2 =	seq.s32 s10, $0x1;
	s10 =	sld [smem:$0x3FBA]  }
0x3d: {  	_ =	shalt  }
0x3e: {  	_ =	shalt  }
0x3f: {  	_ =	shalt  }
0x40: {  	_ =	shalt  }
0x41: {  	_ =	shalt  }
0x42: {  	_ =	shalt  }
0x43: {  	_ =	shalt  }
0x44: {  	_ =	shalt  }
0x45: {  	_ =	shalt  }
0x46: {  	_ =	shalt  }
0x47: {  	_ =	shalt  }
0x48: {  	_ =	shalt  }
0x49: {  	_ =	shalt  }
0x4a: {  	_ =	shalt  }
0x4b: {  	_ =	shalt  }
0x4c: {  	_ =	shalt  }
0x4d: {  	_ =	shalt  }
0x4e: {  	_ =	shalt  }
0x4f: {  	_ =	shalt  }
0x50: {  	_ =	shalt  }
0x51: {  	_ =	shalt  }
0x52: {  	_ =	shalt  }
0x53: {  	_ =	shalt  }
0x54: {  	_ =	shalt  }
0x55: {  	_ =	shalt  }
0x56: {  	_ =	shalt  }
0x57: {  	_ =	shalt  }
0x58: {  	_ =	shalt  }
0x59: {  	_ =	shalt  }
0x5a: {  	_ =	shalt  }
0x5b: {  	_ =	shalt  }
0x5c: {  	_ =	shalt  }
0x5d: {  	_ =	shalt  }
0x5e: {  	_ =	shalt  }
0x5f: {  	_ =	shalt  }
0x60: {  	_ =	shalt  }
0x61: {  	_ =	shalt  }
0x62: {  	_ =	shalt  }
0x63: {  	_ =	shalt  }
0x64: {  	_ =	shalt  }
0x65: {  	_ =	shalt  }
0x66: {  	_ =	shalt  }
0x67: {  	_ =	shalt  }
0x68: {  	_ =	shalt  }
0x69: {  	_ =	shalt  }
0x6a: {  	_ =	shalt  }
0x6b: {  	_ =	shalt  }
0x6c: {  	_ =	shalt  }
0x6d: {  	_ =	shalt  }
0x6e: {  	_ =	shalt  }
0x6f: {  	_ =	shalt  }
0x70: {  	_ =	shalt  }
0x71: {  	_ =	shalt  }
0x72: {  	_ =	shalt  }
0x73: {  	_ =	shalt  }
0x74: {  	_ =	shalt  }
0x75: {  	_ =	shalt  }
0x76: {  	_ =	shalt  }
0x77: {  	_ =	shalt  }
0x78: {  	_ =	shalt  }
0x79: {  	_ =	shalt  }
0x7a: {  	_ =	shalt  }
0x7b: {  	_ =	shalt  }
0x7c: {  	_ =	shalt  }
0x7d: {  	_ =	shalt  }
0x7e: {  	_ =	shalt  }
0x7f: {  	_ =	shalt  }
0x80: {  	_ =	shalt  }
0x81: {  	_ =	shalt  }
0x82: {  	_ =	shalt  }
0x83: {  	_ =	shalt  }
0x84: {  	_ =	shalt  }
0x85: {  	_ =	shalt  }
0x86: {  	_ =	shalt  }
0x87: {  	_ =	shalt  }
.Lfunc_end0:
.L_simem_size_0:
called_computation_lowered:
.L_overlay_start_0:
0x88: {  	s2 =	sld [smem:$0x3FD9]  }
0x89: {  	s3 =	sld [smem:$0x3FFE];
	_ =	sdelay $0x1  }
0x8a: {  	s1 =	srdreg.scid  }
0x8b: {  	s0 =	sand.u32 $0x1, s1  }
0x8c: {  	s18 =	sshll.u32 s0, $0xA;
	s2 =	sadd.s32 s3, s2  }
0x8d: {  	s2 =	sadd.s32 s2, s18  }
0x8e: {  	[smem:$0x3FC6] =	sst s2  }
0x8f: {  	_ = 	snop  }
0x90: {  	s2 =	sld [smem:$0x3FC9]  }
0x91: {  	s19 =	sld [smem:$0x3FC8]  }
0x92: {  	s4 =	sld [smem:$0x3FD0];
	(tm) =	ssettm $0x1  }
0x93: {  	s5 =	sld [smem:$0x3FFB];
	_ =	sdelay $0x3  }
0x94: {  	_ =	strace s5  }
0x95: {  	s5 =	sld [smem:$0x3FFC];
	_ =	sdelay $0x3  }
0x96: {  	_ =	strace s5  }
0x97: {  	s5 =	sld [smem:$0x3FFD];
	_ =	sdelay $0x3  }
0x98: {  	_ =	strace s5  }
0x99: {  	_ =	strace $0x8FFFFFFF  }
0x9a: {  	s20 =	sld [smem:$0x3FDB];
	_ =	sdelay $0x1  }
0x9b: {  	s6 =	simm.s32 $_scs_section_size  }
0x9c: {  	s7 =	simm.s32 $_size__tile_overlayer_lowered;
	s8 =	simm.s32 $_tile_overlayer_lowered  }
0x9d: {  	s23 =	simm.s32 $0x1BFF;
	s22 =	sshll.u32 s8, $0x1;
	s5 =	sadd.s32 s6, s20  }
0x9e: {  	s9 =	simm.s32 $0x0;
	s21 =	sshll.u32 s7, $0x1;
	s7 =	sadd.s32 s22, s5  }
0x9f: {  	[timem:s9], [sflag:s23] =	dma.local [hbm:s7], s21  }
0xa0: {  	_ =	swait.ge [sflag:s23], s21  }
0xa1: {  	s6 =	ssub.s32 $0x0, s21;
	[sflag:s23] =	ssyncset.done $0x0  }
0xa2: {  	[sflag:s23] =	ssyncadd.s32 s6;
	_ =	sdelay $0x1  }
0xa3: {  	s24 =	simm.s32 $0x1B8B  }
0xa4: {  	_ =	swait.ge [sflag:s24], $0x1  }
0xa5: {  	[sflag:s24] =	ssyncset.done $0x0  }
0xa6: {  	s25 =	simm.s32 $0x1B8E;
	[sflag:s24] =	ssyncadd.s32 $0xFFFFFFFF  }
0xa7: {  	s26 =	simm.s32 $execute0_lowered;
	[smem:$0x3FD2] =	sst s25  }
0xa8: {  	s6 =	sshll.u32 s26, $0x1;
	_ =	strace $0x80000046;
	[dreg:$0x1] =	wrdreg $0xFFFFFFFF  }
0xa9: {  	s28 =	simm.s32 $_size_execute0_lowered;
	s5 =	sadd.s32 s5, s6;
	[dreg:$0x0] =	wrdreg $0x0  }
0xaa: {  	s6 =	sshll.u32 s28, $0x1;
	[dreg:$0x2] =	wrdreg s5  }
0xab: {  	[dreg:$0x3] =	wrdreg s6  }
0xac: {  	[dreg:$0x4] =	wrdreg $0xC0  }
0xad: {  	_ =	task [dreg:s9], $0x5FFFF  }
0xae: {  	[dreg:$0x1] =	wrdreg $0xFFFFFFFF  }
0xaf: {  	[dreg:$0x0] =	wrdreg $0x60  }
0xb0: {  	[dreg:$0x2] =	wrdreg s2  }
0xb1: {  	[dreg:$0x3] =	wrdreg s19  }
0xb2: {  	[dreg:$0x4] =	wrdreg s4  }
0xb3: {  	[dreg:$0x5] =	wrdreg $0x9  }
0xb4: {  	_ =	task.clear_ibuf [dreg:s9], $0x6FFFF;
	_ =	strace $0x90000046  }
0xb5: {  	s29 =	simm.s32 $0x9;
	_ =	strace $0x80000048  }
0xb6: {  	_ =	swait.ge [sflag:s29], $0x1  }
0xb7: {  	[sflag:s29] =	ssyncadd.s32 $0xFFFFFFFF  }
0xb8: {  	_ =	strace $0x90000048  }
0xb9: {  	_ =	sfence  }
0xba: {  	s30 =	sld [smem:$0x0];
	_ =	sdelay $0x2  }
0xbb: {  	s31 =	sshll.u32 s1, $0xD;
	s1 =	sshrl.u32 s1, $0x2  }
0xbc: {  	s3 =	sand.u32 $0x4000, s31;
	s1 =	sadd.s32 s1, s30  }
0xbd: {  	s0 =	sor.u32 s3, s0;
	s1 =	sshll.u32 s1, $0x11  }
0xbe: {  	s0 =	sor.u32 s1, s0  }
0xbf: {  	s0 =	sadd.s32 $0x8F2B, s0  }
0xc0: {  	[sflag:s0] =	ssyncadd.remote.s32 $0x1  }
0xc1: {  	_ =	sfence.sel $0xFFFF  }
0xc2: {  	[dreg:$0x0] =	wrdreg $0xFFFFFFFF;
	(pc) =	sbr.abs _section_cstart, $3  }
0xc3: {  	[dreg:$0x1] =	wrdreg $0xFFFFFFFF  }
0xc4: {  	_ =	task.clear_ibuf [dreg:s9], $0x2FFFF;
	_ =	strace $0x9FFFFFFF  }
0xc5: {  	(tm) =	ssettm $0x7FFFFFFF  }
tec
execute0_lowered:
.L_overlay_start_1:
0x0: {  	(tag) =	ssettag $0x1  }
0x1: {  	s0 =	rddreg [dreg:$0x0]  }
0x2: {  	s2 =	rddreg [dreg:$0x1]  }
0x3: {  	s1 =	rddreg [dreg:$0x2];
	s3 =	srdreg.scid  }
0x4: {  	s9 =	stileid.u32;
	s16 =	simm.s32 $0xB;
	s17 =	simm.s32 $0x80  }
0x5: {  	s18 =	simm.s32 $0x1C00;
	s19 =	simm.s32 $0x5C00;
	s21 =	simm.s32 $0x9C00  }
0x6: {  	s28 =	simm.s32 $0x2;
	s29 =	simm.s32 $0x3;
	s30 =	simm.s32 $0x4  }
0x7: {  	s31 =	simm.s32 $0x5;
	s13 =	simm.s32 $0x8;
	s14 =	simm.s32 $0x9  }
0x8: {  	s15 =	simm.s32 $0xA;
	s20 =	simm.s32 $0x0;
	s5 =	sand.u32 $0x1, s3  }
0x9: {  	s3 =	simm.s32 $0x0;
	s4 =	sshll.u32 s9, $0x8;
	s10 =	sshll.u32 s9, $0xC  }
0xa: {  	s6 =	sshll.u32 s5, $0x7;
	[smem:$0x7FF] =	sst s3;
	s23 =	ssub.s32 $0x2, s5  }
0xb: {  	s5 =	sshll.u32 s5, $0xB;
	s4 =	sor.u32 s6, s4;
	_ =	strace $0x80000047  }
0xc: {  	s8 =	sshrl.u32 s23, $0x1;
	s7 =	sshll.u32 s4, $0x4;
	s4 =	sadd.s32 s0, s4  }
0xd: {  	s11 =	ssub.s32 s23, s8;
	s23 =	simm.s32 $0xDC00;
	s0 =	simm.s32 $0x6  }
0xe: {  	s24 =	sadd.s32 s7, s1;
	s25 =	sadd.s32 $0x6000, s4;
	s1 =	sadd.s32 s10, s1  }
0xf: {  	s11 =	smax.u32 s11, $0x1;
	[dreg:$0x4] =	wrdreg s25;
	s26 =	sadd.s32 $0x2D0000, s24  }
0x10: {  	s7 =	sadd.s32 $0x2E0000, s24;
	s8 =	sadd.s32 $0x2F0000, s24;
	s9 =	sadd.s32 $0x300000, s24  }
0x11: {  	s10 =	sadd.s32 $0x310000, s24;
	s12 =	sadd.s32 s5, s1;
	s25 =	simm.s32 $0x11C00  }
0x12: {  	s1 =	simm.s32 $0x7;
	[dreg:$0x5] =	wrdreg s26;
	s26 =	simm.s32 $0x1  }
.LBB2_1:
0x13: {  	s5 =	simm.s32 $0x400;
	s6 =	simm.s32 $0x8000  }
0x14: {  	[tilespmem:s3], [sflag:$0xB] =	stream.strided.gather [hbm4b:s4+s5], $0x1800, s6, s5, $0x38;
	[tilespmem:$0x15C00] =	vst v63  }
0x15: {  	s22 =	rddreg [dreg:$0x4];
	s24 =	simm.s32 $0x1800  }
0x16: {  	[tilespmem:s24], [sflag:$0xB] =	stream.linear.gather [hbm4b:s22+s3], $0x100, $0x38;
	[tilespmem:$0x15C00] =	vst v63  }
0x17: {  	_ =	swait.ge [sflag:s16], $0x1900  }
0x18: {  	[sflag:s16] =	ssyncset.done $0x0  }
0x19: {  	[sflag:s16] =	ssyncadd.s32 $0xFFFFE700  }
0x1a: {  	[tilespmem:s18], [sflag:$0x1] =	stream.indirect.gather [hbm4b:s2+s17], $0x80, s3, s17, $0xb8;
	[tilespmem:$0x15C00] =	vst v63  }
0x1b: {  	_ = 	snop  }
0x1c: {  	[tilespmem:s19], [sflag:$0x2] =	stream.indirect.gather [hbm4b:s2+s17], $0x80, s17, s17, $0xb8;
	[tilespmem:$0x15C00] =	vst v63  }
0x1d: {  	s22 =	simm.s32 $0x100  }
0x1e: {  	[tilespmem:s21], [sflag:$0x3] =	stream.indirect.gather [hbm4b:s2+s17], $0x80, s22, s17, $0xb8;
	[tilespmem:$0x15C00] =	vst v63  }
0x1f: {  	s24 =	simm.s32 $0x180  }
0x20: {  	[tilespmem:s23], [sflag:$0x4] =	stream.indirect.gather [hbm4b:s2+s17], $0x80, s24, s17, $0xb8;
	[tilespmem:$0x15C00] =	vst v63  }
0x21: {  	s6 =	simm.s32 $0x200  }
0x22: {  	[tilespmem:s25], [sflag:$0x5] =	stream.indirect.gather [hbm4b:s2+s17], $0x80, s6, s17, $0xb8;
	[tilespmem:$0x15C00] =	vst v63  }
0x23: {  	_ =	swait.ge [sflag:s26], $0x4000  }
0x24: {  	[sflag:s26] =	ssyncset.done $0x0  }
0x25: {  	[sflag:s26] =	ssyncadd.s32 $0xFFFFC000  }
0x26: {  	[hbm4b:s12+s3] =	stream.linear.scatter [tilespmem:s18], [sflag:$0x6], $0x4000, $0x38;
	[tilespmem:$0x15C00] =	vst v63  }
0x27: {  	_ =	swait.ge [sflag:s28], $0x4000  }
0x28: {  	[sflag:s28] =	ssyncset.done $0x0  }
0x29: {  	s22 =	sadd.s32 $0x10000, s12;
	[sflag:s28] =	ssyncadd.s32 $0xFFFFC000  }
0x2a: {  	[hbm4b:s22+s3] =	stream.linear.scatter [tilespmem:s19], [sflag:$0x7], $0x4000, $0x38;
	[tilespmem:$0x15C00] =	vst v63  }
0x2b: {  	_ =	swait.ge [sflag:s29], $0x4000  }
0x2c: {  	[sflag:s29] =	ssyncset.done $0x0  }
0x2d: {  	s24 =	sadd.s32 $0x20000, s12;
	[sflag:s29] =	ssyncadd.s32 $0xFFFFC000  }
0x2e: {  	[hbm4b:s24+s3] =	stream.linear.scatter [tilespmem:s21], [sflag:$0x8], $0x4000, $0x38;
	[tilespmem:$0x15C00] =	vst v63  }
0x2f: {  	_ =	swait.ge [sflag:s30], $0x4000  }
0x30: {  	[sflag:s30] =	ssyncset.done $0x0  }
0x31: {  	s6 =	sadd.s32 $0x30000, s12;
	[sflag:s30] =	ssyncadd.s32 $0xFFFFC000  }
0x32: {  	[hbm4b:s6+s3] =	stream.linear.scatter [tilespmem:s23], [sflag:$0x9], $0x4000, $0x38;
	[tilespmem:$0x15C00] =	vst v63  }
0x33: {  	_ =	swait.ge [sflag:s31], $0x4000  }
0x34: {  	[sflag:s31] =	ssyncset.done $0x0  }
0x35: {  	s22 =	sadd.s32 $0x40000, s12;
	[sflag:s31] =	ssyncadd.s32 $0xFFFFC000  }
0x36: {  	[hbm4b:s22+s3] =	stream.linear.scatter [tilespmem:s25], [sflag:$0xA], $0x4000, $0x38;
	[tilespmem:$0x15C00] =	vst v63  }
0x37: {  	_ =	swait.ge [sflag:s0], $0x4000  }
0x38: {  	[sflag:s0] =	ssyncset.done $0x0  }
0x39: {  	s24 =	simm.s32 $0x280;
	[sflag:s0] =	ssyncadd.s32 $0xFFFFC000  }
0x3a: {  	[tilespmem:s18], [sflag:$0x1] =	stream.indirect.gather [hbm4b:s2+s17], $0x80, s24, s17, $0xb8;
	[tilespmem:$0x15C00] =	vst v63  }
0x3b: {  	_ =	swait.ge [sflag:s1], $0x4000  }
0x3c: {  	[sflag:s1] =	ssyncset.done $0x0  }
0x3d: {  	s6 =	simm.s32 $0x300;
	[sflag:s1] =	ssyncadd.s32 $0xFFFFC000  }
0x3e: {  	[tilespmem:s19], [sflag:$0x2] =	stream.indirect.gather [hbm4b:s2+s17], $0x80, s6, s17, $0xb8;
	[tilespmem:$0x15C00] =	vst v63  }
0x3f: {  	_ =	swait.ge [sflag:s13], $0x4000  }
0x40: {  	[sflag:s13] =	ssyncset.done $0x0  }
0x41: {  	s22 =	simm.s32 $0x380;
	[sflag:s13] =	ssyncadd.s32 $0xFFFFC000  }
0x42: {  	[tilespmem:s21], [sflag:$0x3] =	stream.indirect.gather [hbm4b:s2+s17], $0x80, s22, s17, $0xb8;
	[tilespmem:$0x15C00] =	vst v63  }
0x43: {  	_ =	swait.ge [sflag:s14], $0x4000  }
0x44: {  	[sflag:s14] =	ssyncset.done $0x0  }
0x45: {  	s24 =	simm.s32 $0x400;
	[sflag:s14] =	ssyncadd.s32 $0xFFFFC000  }
0x46: {  	[tilespmem:s23], [sflag:$0x4] =	stream.indirect.gather [hbm4b:s2+s17], $0x80, s24, s17, $0xb8;
	[tilespmem:$0x15C00] =	vst v63  }
0x47: {  	_ =	swait.ge [sflag:s15], $0x4000  }
0x48: {  	s5 =	simm.s32 $0x480;
	[sflag:s15] =	ssyncset.done $0x0  }
0x49: {  	s22 =	simm.s32 $0xA00;
	s24 =	sadd.s32 $0x50000, s12;
	[sflag:s15] =	ssyncadd.s32 $0xFFFFC000  }
.LBB2_2:
0x4a: {  	[tilespmem:s25], [sflag:$0x5] =	stream.indirect.gather [hbm4b:s2+s17], $0x80, s5, s17, $0xb8;
	[tilespmem:$0x15C00] =	vst v63  }
0x4b: {  	s5 =	smov.u32 s22  }
0x4c: {  	p0 =	sne.s32 s22, $0x5000;
	s22 =	sadd.s32 $0xA00, s22;
	_ =	swait.ge [sflag:s26], $0x4000  }
0x4d: {  	[sflag:s26] =	ssyncset.done $0x0  }
0x4e: {  	[sflag:s26] =	ssyncadd.s32 $0xFFFFC000  }
0x4f: {  	[hbm4b:s24+s3] =	stream.linear.scatter [tilespmem:s18], [sflag:$0x6], $0x4000, $0x38;
	[tilespmem:$0x15C00] =	vst v63  }
0x50: {  	_ =	swait.ge [sflag:s28], $0x4000  }
0x51: {  	[sflag:s28] =	ssyncset.done $0x0  }
0x52: {  	s6 =	sadd.s32 $0x10000, s24;
	[sflag:s28] =	ssyncadd.s32 $0xFFFFC000  }
0x53: {  	[hbm4b:s6+s3] =	stream.linear.scatter [tilespmem:s19], [sflag:$0x7], $0x4000, $0x38;
	[tilespmem:$0x15C00] =	vst v63  }
0x54: {  	_ =	swait.ge [sflag:s29], $0x4000  }
0x55: {  	[sflag:s29] =	ssyncset.done $0x0  }
0x56: {  	s6 =	sadd.s32 $0x20000, s24;
	[sflag:s29] =	ssyncadd.s32 $0xFFFFC000  }
0x57: {  	[hbm4b:s6+s3] =	stream.linear.scatter [tilespmem:s21], [sflag:$0x8], $0x4000, $0x38;
	[tilespmem:$0x15C00] =	vst v63  }
0x58: {  	_ =	swait.ge [sflag:s30], $0x4000  }
0x59: {  	[sflag:s30] =	ssyncset.done $0x0  }
0x5a: {  	s6 =	sadd.s32 $0x30000, s24;
	[sflag:s30] =	ssyncadd.s32 $0xFFFFC000  }
0x5b: {  	[hbm4b:s6+s3] =	stream.linear.scatter [tilespmem:s23], [sflag:$0x9], $0x4000, $0x38;
	[tilespmem:$0x15C00] =	vst v63  }
0x5c: {  	_ =	swait.ge [sflag:s31], $0x4000  }
0x5d: {  	[sflag:s31] =	ssyncset.done $0x0  }
0x5e: {  	s6 =	sadd.s32 $0x40000, s24;
	[sflag:s31] =	ssyncadd.s32 $0xFFFFC000  }
0x5f: {  	[hbm4b:s6+s3] =	stream.linear.scatter [tilespmem:s25], [sflag:$0xA], $0x4000, $0x38;
	[tilespmem:$0x15C00] =	vst v63  }
0x60: {  	_ =	swait.ge [sflag:s0], $0x4000  }
0x61: {  	s5 =	sshra.s32 s5, $0x2;
	[sflag:s0] =	ssyncset.done $0x0  }
0x62: {  	s6 =	sadd.s32 $0x280, s5;
	[sflag:s0] =	ssyncadd.s32 $0xFFFFC000  }
0x63: {  	[tilespmem:s18], [sflag:$0x1] =	stream.indirect.gather [hbm4b:s2+s17], $0x80, s6, s17, $0xb8;
	[tilespmem:$0x15C00] =	vst v63  }
0x64: {  	_ =	swait.ge [sflag:s1], $0x4000  }
0x65: {  	[sflag:s1] =	ssyncset.done $0x0  }
0x66: {  	s6 =	sadd.s32 $0x300, s5;
	[sflag:s1] =	ssyncadd.s32 $0xFFFFC000  }
0x67: {  	[tilespmem:s19], [sflag:$0x2] =	stream.indirect.gather [hbm4b:s2+s17], $0x80, s6, s17, $0xb8;
	[tilespmem:$0x15C00] =	vst v63  }
0x68: {  	_ =	swait.ge [sflag:s13], $0x4000  }
0x69: {  	[sflag:s13] =	ssyncset.done $0x0  }
0x6a: {  	s6 =	sadd.s32 $0x380, s5;
	[sflag:s13] =	ssyncadd.s32 $0xFFFFC000  }
0x6b: {  	[tilespmem:s21], [sflag:$0x3] =	stream.indirect.gather [hbm4b:s2+s17], $0x80, s6, s17, $0xb8;
	[tilespmem:$0x15C00] =	vst v63  }
0x6c: {  	_ =	swait.ge [sflag:s14], $0x4000  }
0x6d: {  	[sflag:s14] =	ssyncset.done $0x0  }
.Ltmp0:
0x6e: {  	s6 =	sadd.s32 $0x400, s5;
	[sflag:s14] =	ssyncadd.s32 $0xFFFFC000;
	(pc) =	sbr.rel @p0 .LBB2_2-.Ltmp0, $4  }
0x6f: {  	[tilespmem:s23], [sflag:$0x4] =	stream.indirect.gather [hbm4b:s2+s17], $0x80, s6, s17, $0xb8;
	[tilespmem:$0x15C00] =	vst v63  }
0x70: {  	_ =	swait.ge [sflag:s15], $0x4000  }
0x71: {  	[sflag:s15] =	ssyncset.done $0x0  }
0x72: {  	s24 =	sadd.s32 $0x50000, s24;
	s5 =	sadd.s32 $0x480, s5;
	[sflag:s15] =	ssyncadd.s32 $0xFFFFC000  }
0x73: {  	[tilespmem:s25], [sflag:$0x5] =	stream.indirect.gather [hbm4b:s2+s17], $0x80, s5, s17, $0xb8;
	[tilespmem:$0x15C00] =	vst v63  }
0x74: {  	_ =	swait.ge [sflag:s26], $0x4000  }
0x75: {  	[sflag:s26] =	ssyncset.done $0x0  }
0x76: {  	s24 =	rddreg [dreg:$0x5];
	[sflag:s26] =	ssyncadd.s32 $0xFFFFC000  }
0x77: {  	[hbm4b:s24+s3] =	stream.linear.scatter [tilespmem:s18], [sflag:$0x6], $0x4000, $0x38;
	[tilespmem:$0x15C00] =	vst v63  }
0x78: {  	_ =	swait.ge [sflag:s28], $0x4000  }
0x79: {  	[sflag:s28] =	ssyncset.done $0x0  }
0x7a: {  	[sflag:s28] =	ssyncadd.s32 $0xFFFFC000  }
0x7b: {  	[hbm4b:s7+s3] =	stream.linear.scatter [tilespmem:s19], [sflag:$0x7], $0x4000, $0x38;
	[tilespmem:$0x15C00] =	vst v63  }
0x7c: {  	_ =	swait.ge [sflag:s29], $0x4000  }
0x7d: {  	[sflag:s29] =	ssyncset.done $0x0  }
0x7e: {  	[sflag:s29] =	ssyncadd.s32 $0xFFFFC000  }
0x7f: {  	[hbm4b:s8+s3] =	stream.linear.scatter [tilespmem:s21], [sflag:$0x8], $0x4000, $0x38;
	[tilespmem:$0x15C00] =	vst v63  }
0x80: {  	_ =	swait.ge [sflag:s30], $0x4000  }
0x81: {  	[sflag:s30] =	ssyncset.done $0x0  }
0x82: {  	[sflag:s30] =	ssyncadd.s32 $0xFFFFC000  }
0x83: {  	[hbm4b:s9+s3] =	stream.linear.scatter [tilespmem:s23], [sflag:$0x9], $0x4000, $0x38;
	[tilespmem:$0x15C00] =	vst v63  }
0x84: {  	_ =	swait.ge [sflag:s31], $0x4000  }
0x85: {  	[sflag:s31] =	ssyncset.done $0x0  }
0x86: {  	[sflag:s31] =	ssyncadd.s32 $0xFFFFC000  }
0x87: {  	[hbm4b:s10+s3] =	stream.linear.scatter [tilespmem:s25], [sflag:$0xA], $0x4000, $0x38;
	[tilespmem:$0x15C00] =	vst v63  }
0x88: {  	_ =	swait.ge [sflag:s0], $0x4000  }
0x89: {  	[sflag:s0] =	ssyncset.done $0x0  }
0x8a: {  	[sflag:s0] =	ssyncadd.s32 $0xFFFFC000  }
0x8b: {  	_ =	swait.ge [sflag:s1], $0x4000  }
0x8c: {  	[sflag:s1] =	ssyncset.done $0x0  }
0x8d: {  	[sflag:s1] =	ssyncadd.s32 $0xFFFFC000  }
0x8e: {  	_ =	swait.ge [sflag:s13], $0x4000  }
0x8f: {  	[sflag:s13] =	ssyncset.done $0x0  }
0x90: {  	s20 =	sadd.s32 $0x1, s20;
	[sflag:s13] =	ssyncadd.s32 $0xFFFFC000  }
0x91: {  	p0 =	sne.s32 s20, s11;
	_ =	swait.ge [sflag:s14], $0x4000  }
.Ltmp1:
0x92: {  	[sflag:s14] =	ssyncset.done $0x0;
	(pc) =	sbr.rel @p0 .LBB2_1-.Ltmp1, $4  }
0x93: {  	[sflag:s14] =	ssyncadd.s32 $0xFFFFC000  }
0x94: {  	_ =	swait.ge [sflag:s15], $0x4000  }
0x95: {  	[sflag:s15] =	ssyncset.done $0x0  }
0x96: {  	[sflag:s15] =	ssyncadd.s32 $0xFFFFC000  }
0x97: {  	_ =	sfence.sel $0x180000  }
0x98: {  	[bflag:$0x0] =	sbarrier.arrive $0xFFFF  }
0x99: {  	_ =	strace $0x90000047  }
0x9a: {  	s0 =	stileid.u32;
	[bflag:$0x2] =	sbarrier.arrive $0xFFFF  }
0x9b: {  	p0 =	sne.s32 s0, $0x0;
	s0 =	rddreg [dreg:$0x3]  }
0x9c: {  	s0 =	sadd.s32 @!p0 $0x100000, s0  }
0x9d: {  	[sflag:s0] =	ssyncadd.tile.s32 @!p0 $0x1;
	_ =	shalt  }
.Lfunc_end2:
_tile_overlayer_lowered:
.L_overlay_start_2:
0x9e: {  	(tag) =	ssettag $0x2  }
0x9f: {  	s0 =	rddreg [dreg:$0x0];
	s2 =	stileid.u32  }
0xa0: {  	s1 =	rddreg [dreg:$0x1];
	p0 =	sne.s32 s2, $0x0  }
0xa1: {  	s3 =	rddreg [dreg:$0x2];
	[bflag:$0x3] =	sbarrier.arrive $0xFFFF;
	s2 =	simm.s32 @!p0 $0x1C0B  }
0xa2: {  	[timem:s3], [sflag:s2] =	dma.local @!p0 [hbm:s0], s1  }
0xa3: {  	s0 =	simm.s32 @!p0 $0xB  }
0xa4: {  	_ =	swait.ge @!p0 [sflag:s0], s1  }
0xa5: {  	s1 =	ssub.s32 @!p0 $0x0, s1;
	[sflag:s0] =	ssyncset.done @!p0 $0x0  }
0xa6: {  	[sflag:s0] =	ssyncadd.s32 @!p0 s1  }
0xa7: {  	[bflag:$0x3] =	sbarrier.arrive $0xFFFF  }
0xa8: {  	_ =	shalt  }

</sc_bundles>
